<compile_context>
chip_gen: v7x
topology: tpu7x:2x2x1
jax: 0.10.2.dev20260603
libtpu: 0.0.44.dev20260713+nightly
codegen_flags: <defaults>
</compile_context>

<pallas_src>
import functools

import jax
import jax.numpy as jnp
from jax import lax
from jax.experimental import pallas as pl
from jax.experimental.pallas import tpu as pltpu
from jax.experimental.pallas import tpu_sc as plsc

_NB = 320000
_NT = 6
_H = 128
_NCOMB = _NT * _NT * _NT
_NW = 32
_CH = 128
_NCH = 78
_NEXTRA = (_NB - _NW * _NCH * _CH) // _CH


def _tc_prelude(a0_ref, a1_ref, a2_ref, e0_ref, e1_ref, e2_ref,
                c_ref, idx_ref):
    e2 = e2_ref[...]
    for i0 in range(_NT):
        r0 = e0_ref[i0, :][None, :]
        for i1 in range(_NT):
            r1 = e1_ref[i1, :][None, :]
            c_ref[pl.ds((i0 * _NT + i1) * _NT, _NT), :] = e2 + r0 + r1

    idx_ref[...] = (a0_ref[...] * _NT + a1_ref[...]) * _NT + a2_ref[...]


@functools.partial(
    pl.kernel,
    out_type=jax.ShapeDtypeStruct((_NB, _H), jnp.float32),
    mesh=plsc.VectorSubcoreMesh(core_axis_name="c", subcore_axis_name="s"),
    compiler_params=pltpu.CompilerParams(needs_layout_passes=False),
    scratch_types=[
        pltpu.VMEM_SHARED((_NCOMB, _H), jnp.float32),
        pltpu.VMEM((_NCH * _CH,), jnp.int32),
        pltpu.VMEM((_CH,), jnp.int32),
        pltpu.VMEM((_CH, _H), jnp.float32),
        pltpu.VMEM((_CH, _H), jnp.float32),
        pltpu.VMEM((_CH, _H), jnp.float32),
        pltpu.VMEM((_CH, _H), jnp.float32),
        pltpu.SemaphoreType.DMA,
        pltpu.SemaphoreType.DMA,
        pltpu.SemaphoreType.DMA,
        pltpu.SemaphoreType.DMA,
        pltpu.SemaphoreType.DMA,
        pltpu.SemaphoreType.DMA,
        pltpu.SemaphoreType.DMA,
        pltpu.SemaphoreType.DMA,
    ],
)
def _sc_gather(c_hbm, idx_hbm, out_hbm, c_sp, idx_v, idx_x,
               buf0, buf1, buf2, buf3,
               sg0, sg1, sg2, sg3, ss0, ss1, ss2, ss3):
    sub = lax.axis_index("s")
    wid = sub * 2 + lax.axis_index("c")
    row0 = wid * (_NCH * _CH)
    bufs = (buf0, buf1, buf2, buf3)
    sgs = (sg0, sg1, sg2, sg3)
    sss = (ss0, ss1, ss2, ss3)

    @pl.when(sub == 0)
    def _():
        pltpu.sync_copy(c_hbm, c_sp)

    pltpu.sync_copy(idx_hbm.at[pl.ds(row0, _NCH * _CH)], idx_v)

    plsc.subcore_barrier()

    def gstart(c, b):
        pltpu.async_copy(
            c_sp.at[idx_v.at[pl.ds(c * _CH, _CH)]], bufs[b], sgs[b])

    def gwait(c, b):
        pltpu.make_async_copy(
            c_sp.at[idx_v.at[pl.ds(c * _CH, _CH)]], bufs[b], sgs[b]).wait()

    def sstart(c, b):
        pltpu.async_copy(
            bufs[b], out_hbm.at[pl.ds(row0 + c * _CH, _CH)], sss[b])

    def swait(c, b):
        pltpu.make_async_copy(
            bufs[b], out_hbm.at[pl.ds(row0 + c * _CH, _CH)], sss[b]).wait()

    gstart(0, 0)
    gstart(1, 1)

    def quad_body(g, carry):
        for d in range(4):
            c = g * 4 + d
            @pl.when(c >= 2)
            def _():
                swait(c - 2, (d + 2) % 4)

            gstart(c + 2, (d + 2) % 4)
            gwait(c, d)
            sstart(c, d)
        return carry

    lax.fori_loop(0, (_NCH - 2) // 4, quad_body, 0)

    swait(74, 2)
    gwait(76, 0)
    sstart(76, 0)
    swait(75, 3)
    gwait(77, 1)
    sstart(77, 1)
    swait(76, 0)
    swait(77, 1)

    @pl.when(wid < _NEXTRA)
    def _():
        xrow = _NW * _NCH * _CH + wid * _CH
        pltpu.sync_copy(idx_hbm.at[pl.ds(xrow, _CH)], idx_x)
        pltpu.async_copy(c_sp.at[idx_x], buf0, sg0).wait()
        pltpu.sync_copy(buf0, out_hbm.at[pl.ds(xrow, _CH)])


def kernel(bond_attr, emb0, emb1, emb2):
    a = bond_attr.astype(jnp.int32)
    a0 = a[:, 0].reshape(_NB // _H, _H)
    a1 = a[:, 1].reshape(_NB // _H, _H)
    a2 = a[:, 2].reshape(_NB // _H, _H)

    comb, idx = pl.pallas_call(
        _tc_prelude,
        out_shape=(
            jax.ShapeDtypeStruct((_NCOMB, _H), jnp.float32),
            jax.ShapeDtypeStruct((_NB // _H, _H), jnp.int32),
        ),
    )(a0, a1, a2, emb0, emb1, emb2)

    return _sc_gather(comb, idx.reshape(_NB))

# --- scband reference (transcript-rebuilt; emitter-appended) ---
"""Pipeline reference for scband-bond-encoder-65764539236737 (READ-ONLY COPY).

The authoritative reference and input builder live on the scoring server;
editing this copy changes nothing except your own understanding.
"""

import jax, jax.numpy as jnp
import numpy as np

NUM_BONDS = 320000
NUM_BOND_FEATURES = 3
NUM_BOND_TYPES = 6
HIDDEN = 128


def setup_inputs(seed: int = 0) -> dict:
    key = jax.random.key(seed)
    k_idx, k0, k1, k2 = jax.random.split(key, 4)
    bond_attr = jax.random.randint(k_idx, (NUM_BONDS, NUM_BOND_FEATURES), 0, NUM_BOND_TYPES, dtype=jnp.int32)
    emb0 = jax.random.normal(k0, (NUM_BOND_TYPES, HIDDEN), dtype=jnp.float32)
    emb1 = jax.random.normal(k1, (NUM_BOND_TYPES, HIDDEN), dtype=jnp.float32)
    emb2 = jax.random.normal(k2, (NUM_BOND_TYPES, HIDDEN), dtype=jnp.float32)
    return {"bond_attr": bond_attr, "emb0": emb0, "emb1": emb1, "emb2": emb2}


def reference(bond_attr, emb0, emb1, emb2):
    # BondEncoder.forward: sum of per-feature embedding lookups
    if bond_attr.ndim == 1:
        bond_attr = bond_attr[:, None]
    tables = [emb0, emb1, emb2]
    out = jnp.zeros((bond_attr.shape[0], emb0.shape[1]), dtype=emb0.dtype)
    for i in range(bond_attr.shape[1]):
        out = out + jnp.take(tables[i], bond_attr[:, i], axis=0)
    return out

if __name__ == "__main__":
    import jax
    _d = setup_inputs()
    print(jax.jit(kernel)(*tuple(_d.values())))

</pallas_src>

<mosaic_0001>
#map = affine_map<(d0, d1) -> (0, 0)>
#map1 = affine_map<(d0, d1) -> (0)>
module attributes {stable_mosaic.version = 14 : i64} {
  func.func @_sc_gather(%arg0: i32, %arg1: i32, %arg2: memref<216x128xf32, #tpu.memory_space<hbm>>, %arg3: memref<320000xi32, #tpu.memory_space<hbm>>, %arg4: memref<320000x128xf32, #tpu.memory_space<hbm>>, %arg5: memref<216x128xf32, #tpu.memory_space<vmem_shared>>, %arg6: memref<9984xi32, #tpu.memory_space<vmem>>, %arg7: memref<128xi32, #tpu.memory_space<vmem>>, %arg8: memref<128x128xf32, #tpu.memory_space<vmem>>, %arg9: memref<128x128xf32, #tpu.memory_space<vmem>>, %arg10: memref<128x128xf32, #tpu.memory_space<vmem>>, %arg11: memref<128x128xf32, #tpu.memory_space<vmem>>, %arg12: memref<!tpu.dma_semaphore, #tpu.memory_space<semaphore_mem>>, %arg13: memref<!tpu.dma_semaphore, #tpu.memory_space<semaphore_mem>>, %arg14: memref<!tpu.dma_semaphore, #tpu.memory_space<semaphore_mem>>, %arg15: memref<!tpu.dma_semaphore, #tpu.memory_space<semaphore_mem>>, %arg16: memref<!tpu.dma_semaphore, #tpu.memory_space<semaphore_mem>>, %arg17: memref<!tpu.dma_semaphore, #tpu.memory_space<semaphore_mem>>, %arg18: memref<!tpu.dma_semaphore, #tpu.memory_space<semaphore_mem>>, %arg19: memref<!tpu.dma_semaphore, #tpu.memory_space<semaphore_mem>>) attributes {dimension_semantics = [#tpu.dimension_semantics<core_parallel>, #tpu.dimension_semantics<subcore_parallel>], iteration_bounds = array<i64: 2, 16>, scalar_prefetch = 0 : i64, scratch_operands = 15 : i64, tpu.core_type = #tpu.core_type<sc_vector_subcore>, window_params = [{transform_indices = #map}, {transform_indices = #map1}, {transform_indices = #map}]} {
    %mul3A = arith.constant 2 : i32
    %mul3A_0 = arith.muli %arg1, %mul3A : i32
    %add3A = arith.addi %mul3A_0, %arg0 : i32
    %mul3A_1 = arith.constant 9984 : i32
    %mul3A_2 = arith.muli %add3A, %mul3A_1 : i32
    %eq3A = arith.constant 0 : i32
    %eq3A_3 = arith.cmpi eq, %arg1, %eq3A : i32
    %convert_element_type3A = arith.extui %eq3A_3 : i1 to i32
    %cond3A = arith.constant 0 : i32
    %cond3A_4 = arith.cmpi ne, %convert_element_type3A, %cond3A : i32
    scf.if %cond3A_4 {
      "tpu.region"() ({
        %run_scoped3A = tpu.sem_alloc : memref<!tpu.dma_semaphore, #tpu.memory_space<semaphore_mem>>
        tpu.enqueue_dma source(%arg2 : memref<216x128xf32, #tpu.memory_space<hbm>>) target(%arg5 : memref<216x128xf32, #tpu.memory_space<vmem_shared>>) target_semaphore(%run_scoped3A : memref<!tpu.dma_semaphore, #tpu.memory_space<semaphore_mem>>)
        tpu.wait_dma2 semaphore(%run_scoped3A : memref<!tpu.dma_semaphore, #tpu.memory_space<semaphore_mem>>) src(%arg2 : memref<216x128xf32, #tpu.memory_space<hbm>>) dst(%arg5 : memref<216x128xf32, #tpu.memory_space<vmem_shared>>)
        tpu.yield
      }) : () -> ()
    } else {
    }
    "tpu.region"() ({
      %run_scoped3A = tpu.sem_alloc : memref<!tpu.dma_semaphore, #tpu.memory_space<semaphore_mem>>
      %dma_start3A_68 = tpu.memref_slice %arg3[%mul3A_2] : memref<320000xi32, #tpu.memory_space<hbm>> -> memref<9984xi32, #tpu.memory_space<hbm>>
      %dma_start3A_69 = tpu.memref_slice %arg3[%mul3A_2] : memref<320000xi32, #tpu.memory_space<hbm>> -> memref<9984xi32, #tpu.memory_space<hbm>>
      tpu.enqueue_dma source(%dma_start3A_69 : memref<9984xi32, #tpu.memory_space<hbm>>) target(%arg6 : memref<9984xi32, #tpu.memory_space<vmem>>) target_semaphore(%run_scoped3A : memref<!tpu.dma_semaphore, #tpu.memory_space<semaphore_mem>>)
      %dma_wait3A_70 = tpu.memref_slice %arg3[%mul3A_2] : memref<320000xi32, #tpu.memory_space<hbm>> -> memref<9984xi32, #tpu.memory_space<hbm>>
      %dma_wait3A_71 = tpu.memref_slice %arg3[%mul3A_2] : memref<320000xi32, #tpu.memory_space<hbm>> -> memref<9984xi32, #tpu.memory_space<hbm>>
      tpu.wait_dma2 semaphore(%run_scoped3A : memref<!tpu.dma_semaphore, #tpu.memory_space<semaphore_mem>>) src(%dma_wait3A_71 : memref<9984xi32, #tpu.memory_space<hbm>>) dst(%arg6 : memref<9984xi32, #tpu.memory_space<vmem>>)
      tpu.yield
    }) : () -> ()
    %barrier3A = arith.constant 0 : index
    tpu.barrier barrier_id(%barrier3A)
    %dma_start3A = arith.constant 0 : i32
    %dma_start3A_5 = tpu.memref_slice %arg6[%dma_start3A] : memref<9984xi32, #tpu.memory_space<vmem>> -> memref<128xi32, #tpu.memory_space<vmem>>
    %dma_start3A_6 = arith.constant 0 : i32
    %dma_start3A_7 = arith.constant 0 : i32
    %dma_start3A_8 = tpu.memref_slice %arg5[%dma_start3A_6, %dma_start3A_7] : memref<216x128xf32, #tpu.memory_space<vmem_shared>> -> memref<216x128xf32, #tpu.memory_space<vmem_shared>>
    tpu.enqueue_indirect_dma source(%dma_start3A_8 : memref<216x128xf32, #tpu.memory_space<vmem_shared>>) target(%arg8 : memref<128x128xf32, #tpu.memory_space<vmem>>) offsets(%dma_start3A_5 : memref<128xi32, #tpu.memory_space<vmem>>) semaphore(%arg12 : memref<!tpu.dma_semaphore, #tpu.memory_space<semaphore_mem>>)
    %dma_start3A_9 = arith.constant 128 : i32
    %dma_start3A_10 = tpu.memref_slice %arg6[%dma_start3A_9] : memref<9984xi32, #tpu.memory_space<vmem>> -> memref<128xi32, #tpu.memory_space<vmem>>
    %dma_start3A_11 = arith.constant 0 : i32
    %dma_start3A_12 = arith.constant 0 : i32
    %dma_start3A_13 = tpu.memref_slice %arg5[%dma_start3A_11, %dma_start3A_12] : memref<216x128xf32, #tpu.memory_space<vmem_shared>> -> memref<216x128xf32, #tpu.memory_space<vmem_shared>>
    tpu.enqueue_indirect_dma source(%dma_start3A_13 : memref<216x128xf32, #tpu.memory_space<vmem_shared>>) target(%arg9 : memref<128x128xf32, #tpu.memory_space<vmem>>) offsets(%dma_start3A_10 : memref<128xi32, #tpu.memory_space<vmem>>) semaphore(%arg13 : memref<!tpu.dma_semaphore, #tpu.memory_space<semaphore_mem>>)
    %scan3A = arith.constant 0 : i32
    %scan3A_14 = arith.constant 0 : i32
    %scan3A_15 = arith.constant 19 : i32
    %scan3A_16 = arith.addi %scan3A_14, %scan3A_15 : i32
    %scan3A_17 = arith.constant 1 : i32
    scf.for %scan3A_68 = %scan3A_14 to %scan3A_16 step %scan3A_17  : i32 {
      %mul3A_69 = arith.constant 4 : i32
      %mul3A_70 = arith.muli %scan3A_68, %mul3A_69 : i32
      %add3A_71 = arith.constant 0 : i32
      %add3A_72 = arith.addi %mul3A_70, %add3A_71 : i32
      %ge3A = arith.constant 2 : i32
      %ge3A_73 = arith.cmpi sge, %add3A_72, %ge3A : i32
      %convert_element_type3A_74 = arith.extui %ge3A_73 : i1 to i32
      %cond3A_75 = arith.constant 0 : i32
      %cond3A_76 = arith.cmpi ne, %convert_element_type3A_74, %cond3A_75 : i32
      scf.if %cond3A_76 {
        %sub3A = arith.constant 2 : i32
        %sub3A_188 = arith.subi %add3A_72, %sub3A : i32
        %mul3A_189 = arith.constant 128 : i32
        %mul3A_190 = arith.muli %sub3A_188, %mul3A_189 : i32
        %add3A_191 = arith.addi %mul3A_2, %mul3A_190 : i32
        %dma_wait3A_192 = arith.constant 0 : i32
        %dma_wait3A_193 = tpu.memref_slice %arg4[%add3A_191, %dma_wait3A_192] : memref<320000x128xf32, #tpu.memory_space<hbm>> -> memref<128x128xf32, #tpu.memory_space<hbm>>
        %dma_wait3A_194 = arith.constant 0 : i32
        %dma_wait3A_195 = tpu.memref_slice %arg4[%add3A_191, %dma_wait3A_194] : memref<320000x128xf32, #tpu.memory_space<hbm>> -> memref<128x128xf32, #tpu.memory_space<hbm>>
        tpu.wait_dma2 semaphore(%arg18 : memref<!tpu.dma_semaphore, #tpu.memory_space<semaphore_mem>>) src(%arg10 : memref<128x128xf32, #tpu.memory_space<vmem>>) dst(%dma_wait3A_195 : memref<128x128xf32, #tpu.memory_space<hbm>>)
      } else {
      }
      %add3A_77 = arith.constant 2 : i32
      %add3A_78 = arith.addi %add3A_72, %add3A_77 : i32
      %mul3A_79 = arith.constant 128 : i32
      %mul3A_80 = arith.muli %add3A_78, %mul3A_79 : i32
      %dma_start3A_81 = tpu.memref_slice %arg6[%mul3A_80] : memref<9984xi32, #tpu.memory_space<vmem>> -> memref<128xi32, #tpu.memory_space<vmem>>
      %dma_start3A_82 = arith.constant 0 : i32
      %dma_start3A_83 = arith.constant 0 : i32
      %dma_start3A_84 = tpu.memref_slice %arg5[%dma_start3A_82, %dma_start3A_83] : memref<216x128xf32, #tpu.memory_space<vmem_shared>> -> memref<216x128xf32, #tpu.memory_space<vmem_shared>>
      tpu.enqueue_indirect_dma source(%dma_start3A_84 : memref<216x128xf32, #tpu.memory_space<vmem_shared>>) target(%arg10 : memref<128x128xf32, #tpu.memory_space<vmem>>) offsets(%dma_start3A_81 : memref<128xi32, #tpu.memory_space<vmem>>) semaphore(%arg14 : memref<!tpu.dma_semaphore, #tpu.memory_space<semaphore_mem>>)
      %mul3A_85 = arith.constant 128 : i32
      %mul3A_86 = arith.muli %add3A_72, %mul3A_85 : i32
      %dma_wait3A_87 = tpu.memref_slice %arg6[%mul3A_86] : memref<9984xi32, #tpu.memory_space<vmem>> -> memref<128xi32, #tpu.memory_space<vmem>>
      %dma_wait3A_88 = arith.constant 0 : i32
      %dma_wait3A_89 = arith.constant 0 : i32
      %dma_wait3A_90 = tpu.memref_slice %arg5[%dma_wait3A_88, %dma_wait3A_89] : memref<216x128xf32, #tpu.memory_space<vmem_shared>> -> memref<216x128xf32, #tpu.memory_space<vmem_shared>>
      tpu.wait_indirect_dma semaphore(%arg12 : memref<!tpu.dma_semaphore, #tpu.memory_space<semaphore_mem>>) src(%dma_wait3A_90 : memref<216x128xf32, #tpu.memory_space<vmem_shared>>) dst(%arg8 : memref<128x128xf32, #tpu.memory_space<vmem>>)
      %mul3A_91 = arith.constant 128 : i32
      %mul3A_92 = arith.muli %add3A_72, %mul3A_91 : i32
      %add3A_93 = arith.addi %mul3A_2, %mul3A_92 : i32
      %dma_start3A_94 = arith.constant 0 : i32
      %dma_start3A_95 = tpu.memref_slice %arg4[%add3A_93, %dma_start3A_94] : memref<320000x128xf32, #tpu.memory_space<hbm>> -> memref<128x128xf32, #tpu.memory_space<hbm>>
      %dma_start3A_96 = arith.constant 0 : i32
      %dma_start3A_97 = tpu.memref_slice %arg4[%add3A_93, %dma_start3A_96] : memref<320000x128xf32, #tpu.memory_space<hbm>> -> memref<128x128xf32, #tpu.memory_space<hbm>>
      tpu.enqueue_dma source(%arg8 : memref<128x128xf32, #tpu.memory_space<vmem>>) target(%dma_start3A_97 : memref<128x128xf32, #tpu.memory_space<hbm>>) target_semaphore(%arg16 : memref<!tpu.dma_semaphore, #tpu.memory_space<semaphore_mem>>)
      %mul3A_98 = arith.constant 4 : i32
      %mul3A_99 = arith.muli %scan3A_68, %mul3A_98 : i32
      %add3A_100 = arith.constant 1 : i32
      %add3A_101 = arith.addi %mul3A_99, %add3A_100 : i32
      %ge3A_102 = arith.constant 2 : i32
      %ge3A_103 = arith.cmpi sge, %add3A_101, %ge3A_102 : i32
      %convert_element_type3A_104 = arith.extui %ge3A_103 : i1 to i32
      %cond3A_105 = arith.constant 0 : i32
      %cond3A_106 = arith.cmpi ne, %convert_element_type3A_104, %cond3A_105 : i32
      scf.if %cond3A_106 {
        %sub3A = arith.constant 2 : i32
        %sub3A_188 = arith.subi %add3A_101, %sub3A : i32
        %mul3A_189 = arith.constant 128 : i32
        %mul3A_190 = arith.muli %sub3A_188, %mul3A_189 : i32
        %add3A_191 = arith.addi %mul3A_2, %mul3A_190 : i32
        %dma_wait3A_192 = arith.constant 0 : i32
        %dma_wait3A_193 = tpu.memref_slice %arg4[%add3A_191, %dma_wait3A_192] : memref<320000x128xf32, #tpu.memory_space<hbm>> -> memref<128x128xf32, #tpu.memory_space<hbm>>
        %dma_wait3A_194 = arith.constant 0 : i32
        %dma_wait3A_195 = tpu.memref_slice %arg4[%add3A_191, %dma_wait3A_194] : memref<320000x128xf32, #tpu.memory_space<hbm>> -> memref<128x128xf32, #tpu.memory_space<hbm>>
        tpu.wait_dma2 semaphore(%arg19 : memref<!tpu.dma_semaphore, #tpu.memory_space<semaphore_mem>>) src(%arg11 : memref<128x128xf32, #tpu.memory_space<vmem>>) dst(%dma_wait3A_195 : memref<128x128xf32, #tpu.memory_space<hbm>>)
      } else {
      }
      %add3A_107 = arith.constant 2 : i32
      %add3A_108 = arith.addi %add3A_101, %add3A_107 : i32
      %mul3A_109 = arith.constant 128 : i32
      %mul3A_110 = arith.muli %add3A_108, %mul3A_109 : i32
      %dma_start3A_111 = tpu.memref_slice %arg6[%mul3A_110] : memref<9984xi32, #tpu.memory_space<vmem>> -> memref<128xi32, #tpu.memory_space<vmem>>
      %dma_start3A_112 = arith.constant 0 : i32
      %dma_start3A_113 = arith.constant 0 : i32
      %dma_start3A_114 = tpu.memref_slice %arg5[%dma_start3A_112, %dma_start3A_113] : memref<216x128xf32, #tpu.memory_space<vmem_shared>> -> memref<216x128xf32, #tpu.memory_space<vmem_shared>>
      tpu.enqueue_indirect_dma source(%dma_start3A_114 : memref<216x128xf32, #tpu.memory_space<vmem_shared>>) target(%arg11 : memref<128x128xf32, #tpu.memory_space<vmem>>) offsets(%dma_start3A_111 : memref<128xi32, #tpu.memory_space<vmem>>) semaphore(%arg15 : memref<!tpu.dma_semaphore, #tpu.memory_space<semaphore_mem>>)
      %mul3A_115 = arith.constant 128 : i32
      %mul3A_116 = arith.muli %add3A_101, %mul3A_115 : i32
      %dma_wait3A_117 = tpu.memref_slice %arg6[%mul3A_116] : memref<9984xi32, #tpu.memory_space<vmem>> -> memref<128xi32, #tpu.memory_space<vmem>>
      %dma_wait3A_118 = arith.constant 0 : i32
      %dma_wait3A_119 = arith.constant 0 : i32
      %dma_wait3A_120 = tpu.memref_slice %arg5[%dma_wait3A_118, %dma_wait3A_119] : memref<216x128xf32, #tpu.memory_space<vmem_shared>> -> memref<216x128xf32, #tpu.memory_space<vmem_shared>>
      tpu.wait_indirect_dma semaphore(%arg13 : memref<!tpu.dma_semaphore, #tpu.memory_space<semaphore_mem>>) src(%dma_wait3A_120 : memref<216x128xf32, #tpu.memory_space<vmem_shared>>) dst(%arg9 : memref<128x128xf32, #tpu.memory_space<vmem>>)
      %mul3A_121 = arith.constant 128 : i32
      %mul3A_122 = arith.muli %add3A_101, %mul3A_121 : i32
      %add3A_123 = arith.addi %mul3A_2, %mul3A_122 : i32
      %dma_start3A_124 = arith.constant 0 : i32
      %dma_start3A_125 = tpu.memref_slice %arg4[%add3A_123, %dma_start3A_124] : memref<320000x128xf32, #tpu.memory_space<hbm>> -> memref<128x128xf32, #tpu.memory_space<hbm>>
      %dma_start3A_126 = arith.constant 0 : i32
      %dma_start3A_127 = tpu.memref_slice %arg4[%add3A_123, %dma_start3A_126] : memref<320000x128xf32, #tpu.memory_space<hbm>> -> memref<128x128xf32, #tpu.memory_space<hbm>>
      tpu.enqueue_dma source(%arg9 : memref<128x128xf32, #tpu.memory_space<vmem>>) target(%dma_start3A_127 : memref<128x128xf32, #tpu.memory_space<hbm>>) target_semaphore(%arg17 : memref<!tpu.dma_semaphore, #tpu.memory_space<semaphore_mem>>)
      %mul3A_128 = arith.constant 4 : i32
      %mul3A_129 = arith.muli %scan3A_68, %mul3A_128 : i32
      %add3A_130 = arith.constant 2 : i32
      %add3A_131 = arith.addi %mul3A_129, %add3A_130 : i32
      %ge3A_132 = arith.constant 2 : i32
      %ge3A_133 = arith.cmpi sge, %add3A_131, %ge3A_132 : i32
      %convert_element_type3A_134 = arith.extui %ge3A_133 : i1 to i32
      %cond3A_135 = arith.constant 0 : i32
      %cond3A_136 = arith.cmpi ne, %convert_element_type3A_134, %cond3A_135 : i32
      scf.if %cond3A_136 {
        %sub3A = arith.constant 2 : i32
        %sub3A_188 = arith.subi %add3A_131, %sub3A : i32
        %mul3A_189 = arith.constant 128 : i32
        %mul3A_190 = arith.muli %sub3A_188, %mul3A_189 : i32
        %add3A_191 = arith.addi %mul3A_2, %mul3A_190 : i32
        %dma_wait3A_192 = arith.constant 0 : i32
        %dma_wait3A_193 = tpu.memref_slice %arg4[%add3A_191, %dma_wait3A_192] : memref<320000x128xf32, #tpu.memory_space<hbm>> -> memref<128x128xf32, #tpu.memory_space<hbm>>
        %dma_wait3A_194 = arith.constant 0 : i32
        %dma_wait3A_195 = tpu.memref_slice %arg4[%add3A_191, %dma_wait3A_194] : memref<320000x128xf32, #tpu.memory_space<hbm>> -> memref<128x128xf32, #tpu.memory_space<hbm>>
        tpu.wait_dma2 semaphore(%arg16 : memref<!tpu.dma_semaphore, #tpu.memory_space<semaphore_mem>>) src(%arg8 : memref<128x128xf32, #tpu.memory_space<vmem>>) dst(%dma_wait3A_195 : memref<128x128xf32, #tpu.memory_space<hbm>>)
      } else {
      }
      %add3A_137 = arith.constant 2 : i32
      %add3A_138 = arith.addi %add3A_131, %add3A_137 : i32
      %mul3A_139 = arith.constant 128 : i32
      %mul3A_140 = arith.muli %add3A_138, %mul3A_139 : i32
      %dma_start3A_141 = tpu.memref_slice %arg6[%mul3A_140] : memref<9984xi32, #tpu.memory_space<vmem>> -> memref<128xi32, #tpu.memory_space<vmem>>
      %dma_start3A_142 = arith.constant 0 : i32
      %dma_start3A_143 = arith.constant 0 : i32
      %dma_start3A_144 = tpu.memref_slice %arg5[%dma_start3A_142, %dma_start3A_143] : memref<216x128xf32, #tpu.memory_space<vmem_shared>> -> memref<216x128xf32, #tpu.memory_space<vmem_shared>>
      tpu.enqueue_indirect_dma source(%dma_start3A_144 : memref<216x128xf32, #tpu.memory_space<vmem_shared>>) target(%arg8 : memref<128x128xf32, #tpu.memory_space<vmem>>) offsets(%dma_start3A_141 : memref<128xi32, #tpu.memory_space<vmem>>) semaphore(%arg12 : memref<!tpu.dma_semaphore, #tpu.memory_space<semaphore_mem>>)
      %mul3A_145 = arith.constant 128 : i32
      %mul3A_146 = arith.muli %add3A_131, %mul3A_145 : i32
      %dma_wait3A_147 = tpu.memref_slice %arg6[%mul3A_146] : memref<9984xi32, #tpu.memory_space<vmem>> -> memref<128xi32, #tpu.memory_space<vmem>>
      %dma_wait3A_148 = arith.constant 0 : i32
      %dma_wait3A_149 = arith.constant 0 : i32
      %dma_wait3A_150 = tpu.memref_slice %arg5[%dma_wait3A_148, %dma_wait3A_149] : memref<216x128xf32, #tpu.memory_space<vmem_shared>> -> memref<216x128xf32, #tpu.memory_space<vmem_shared>>
      tpu.wait_indirect_dma semaphore(%arg14 : memref<!tpu.dma_semaphore, #tpu.memory_space<semaphore_mem>>) src(%dma_wait3A_150 : memref<216x128xf32, #tpu.memory_space<vmem_shared>>) dst(%arg10 : memref<128x128xf32, #tpu.memory_space<vmem>>)
      %mul3A_151 = arith.constant 128 : i32
      %mul3A_152 = arith.muli %add3A_131, %mul3A_151 : i32
      %add3A_153 = arith.addi %mul3A_2, %mul3A_152 : i32
      %dma_start3A_154 = arith.constant 0 : i32
      %dma_start3A_155 = tpu.memref_slice %arg4[%add3A_153, %dma_start3A_154] : memref<320000x128xf32, #tpu.memory_space<hbm>> -> memref<128x128xf32, #tpu.memory_space<hbm>>
      %dma_start3A_156 = arith.constant 0 : i32
      %dma_start3A_157 = tpu.memref_slice %arg4[%add3A_153, %dma_start3A_156] : memref<320000x128xf32, #tpu.memory_space<hbm>> -> memref<128x128xf32, #tpu.memory_space<hbm>>
      tpu.enqueue_dma source(%arg10 : memref<128x128xf32, #tpu.memory_space<vmem>>) target(%dma_start3A_157 : memref<128x128xf32, #tpu.memory_space<hbm>>) target_semaphore(%arg18 : memref<!tpu.dma_semaphore, #tpu.memory_space<semaphore_mem>>)
      %mul3A_158 = arith.constant 4 : i32
      %mul3A_159 = arith.muli %scan3A_68, %mul3A_158 : i32
      %add3A_160 = arith.constant 3 : i32
      %add3A_161 = arith.addi %mul3A_159, %add3A_160 : i32
      %ge3A_162 = arith.constant 2 : i32
      %ge3A_163 = arith.cmpi sge, %add3A_161, %ge3A_162 : i32
      %convert_element_type3A_164 = arith.extui %ge3A_163 : i1 to i32
      %cond3A_165 = arith.constant 0 : i32
      %cond3A_166 = arith.cmpi ne, %convert_element_type3A_164, %cond3A_165 : i32
      scf.if %cond3A_166 {
        %sub3A = arith.constant 2 : i32
        %sub3A_188 = arith.subi %add3A_161, %sub3A : i32
        %mul3A_189 = arith.constant 128 : i32
        %mul3A_190 = arith.muli %sub3A_188, %mul3A_189 : i32
        %add3A_191 = arith.addi %mul3A_2, %mul3A_190 : i32
        %dma_wait3A_192 = arith.constant 0 : i32
        %dma_wait3A_193 = tpu.memref_slice %arg4[%add3A_191, %dma_wait3A_192] : memref<320000x128xf32, #tpu.memory_space<hbm>> -> memref<128x128xf32, #tpu.memory_space<hbm>>
        %dma_wait3A_194 = arith.constant 0 : i32
        %dma_wait3A_195 = tpu.memref_slice %arg4[%add3A_191, %dma_wait3A_194] : memref<320000x128xf32, #tpu.memory_space<hbm>> -> memref<128x128xf32, #tpu.memory_space<hbm>>
        tpu.wait_dma2 semaphore(%arg17 : memref<!tpu.dma_semaphore, #tpu.memory_space<semaphore_mem>>) src(%arg9 : memref<128x128xf32, #tpu.memory_space<vmem>>) dst(%dma_wait3A_195 : memref<128x128xf32, #tpu.memory_space<hbm>>)
      } else {
      }
      %add3A_167 = arith.constant 2 : i32
      %add3A_168 = arith.addi %add3A_161, %add3A_167 : i32
      %mul3A_169 = arith.constant 128 : i32
      %mul3A_170 = arith.muli %add3A_168, %mul3A_169 : i32
      %dma_start3A_171 = tpu.memref_slice %arg6[%mul3A_170] : memref<9984xi32, #tpu.memory_space<vmem>> -> memref<128xi32, #tpu.memory_space<vmem>>
      %dma_start3A_172 = arith.constant 0 : i32
      %dma_start3A_173 = arith.constant 0 : i32
      %dma_start3A_174 = tpu.memref_slice %arg5[%dma_start3A_172, %dma_start3A_173] : memref<216x128xf32, #tpu.memory_space<vmem_shared>> -> memref<216x128xf32, #tpu.memory_space<vmem_shared>>
      tpu.enqueue_indirect_dma source(%dma_start3A_174 : memref<216x128xf32, #tpu.memory_space<vmem_shared>>) target(%arg9 : memref<128x128xf32, #tpu.memory_space<vmem>>) offsets(%dma_start3A_171 : memref<128xi32, #tpu.memory_space<vmem>>) semaphore(%arg13 : memref<!tpu.dma_semaphore, #tpu.memory_space<semaphore_mem>>)
      %mul3A_175 = arith.constant 128 : i32
      %mul3A_176 = arith.muli %add3A_161, %mul3A_175 : i32
      %dma_wait3A_177 = tpu.memref_slice %arg6[%mul3A_176] : memref<9984xi32, #tpu.memory_space<vmem>> -> memref<128xi32, #tpu.memory_space<vmem>>
      %dma_wait3A_178 = arith.constant 0 : i32
      %dma_wait3A_179 = arith.constant 0 : i32
      %dma_wait3A_180 = tpu.memref_slice %arg5[%dma_wait3A_178, %dma_wait3A_179] : memref<216x128xf32, #tpu.memory_space<vmem_shared>> -> memref<216x128xf32, #tpu.memory_space<vmem_shared>>
      tpu.wait_indirect_dma semaphore(%arg15 : memref<!tpu.dma_semaphore, #tpu.memory_space<semaphore_mem>>) src(%dma_wait3A_180 : memref<216x128xf32, #tpu.memory_space<vmem_shared>>) dst(%arg11 : memref<128x128xf32, #tpu.memory_space<vmem>>)
      %mul3A_181 = arith.constant 128 : i32
      %mul3A_182 = arith.muli %add3A_161, %mul3A_181 : i32
      %add3A_183 = arith.addi %mul3A_2, %mul3A_182 : i32
      %dma_start3A_184 = arith.constant 0 : i32
      %dma_start3A_185 = tpu.memref_slice %arg4[%add3A_183, %dma_start3A_184] : memref<320000x128xf32, #tpu.memory_space<hbm>> -> memref<128x128xf32, #tpu.memory_space<hbm>>
      %dma_start3A_186 = arith.constant 0 : i32
      %dma_start3A_187 = tpu.memref_slice %arg4[%add3A_183, %dma_start3A_186] : memref<320000x128xf32, #tpu.memory_space<hbm>> -> memref<128x128xf32, #tpu.memory_space<hbm>>
      tpu.enqueue_dma source(%arg11 : memref<128x128xf32, #tpu.memory_space<vmem>>) target(%dma_start3A_187 : memref<128x128xf32, #tpu.memory_space<hbm>>) target_semaphore(%arg19 : memref<!tpu.dma_semaphore, #tpu.memory_space<semaphore_mem>>)
    }
    %scan3A_18 = arith.constant 19 : i32
    %add3A_19 = arith.constant 9472 : i32
    %add3A_20 = arith.addi %mul3A_2, %add3A_19 : i32
    %dma_wait3A = arith.constant 0 : i32
    %dma_wait3A_21 = tpu.memref_slice %arg4[%add3A_20, %dma_wait3A] : memref<320000x128xf32, #tpu.memory_space<hbm>> -> memref<128x128xf32, #tpu.memory_space<hbm>>
    %dma_wait3A_22 = arith.constant 0 : i32
    %dma_wait3A_23 = tpu.memref_slice %arg4[%add3A_20, %dma_wait3A_22] : memref<320000x128xf32, #tpu.memory_space<hbm>> -> memref<128x128xf32, #tpu.memory_space<hbm>>
    tpu.wait_dma2 semaphore(%arg18 : memref<!tpu.dma_semaphore, #tpu.memory_space<semaphore_mem>>) src(%arg10 : memref<128x128xf32, #tpu.memory_space<vmem>>) dst(%dma_wait3A_23 : memref<128x128xf32, #tpu.memory_space<hbm>>)
    %dma_wait3A_24 = arith.constant 9728 : i32
    %dma_wait3A_25 = tpu.memref_slice %arg6[%dma_wait3A_24] : memref<9984xi32, #tpu.memory_space<vmem>> -> memref<128xi32, #tpu.memory_space<vmem>>
    %dma_wait3A_26 = arith.constant 0 : i32
    %dma_wait3A_27 = arith.constant 0 : i32
    %dma_wait3A_28 = tpu.memref_slice %arg5[%dma_wait3A_26, %dma_wait3A_27] : memref<216x128xf32, #tpu.memory_space<vmem_shared>> -> memref<216x128xf32, #tpu.memory_space<vmem_shared>>
    tpu.wait_indirect_dma semaphore(%arg12 : memref<!tpu.dma_semaphore, #tpu.memory_space<semaphore_mem>>) src(%dma_wait3A_28 : memref<216x128xf32, #tpu.memory_space<vmem_shared>>) dst(%arg8 : memref<128x128xf32, #tpu.memory_space<vmem>>)
    %add3A_29 = arith.constant 9728 : i32
    %add3A_30 = arith.addi %mul3A_2, %add3A_29 : i32
    %dma_start3A_31 = arith.constant 0 : i32
    %dma_start3A_32 = tpu.memref_slice %arg4[%add3A_30, %dma_start3A_31] : memref<320000x128xf32, #tpu.memory_space<hbm>> -> memref<128x128xf32, #tpu.memory_space<hbm>>
    %dma_start3A_33 = arith.constant 0 : i32
    %dma_start3A_34 = tpu.memref_slice %arg4[%add3A_30, %dma_start3A_33] : memref<320000x128xf32, #tpu.memory_space<hbm>> -> memref<128x128xf32, #tpu.memory_space<hbm>>
    tpu.enqueue_dma source(%arg8 : memref<128x128xf32, #tpu.memory_space<vmem>>) target(%dma_start3A_34 : memref<128x128xf32, #tpu.memory_space<hbm>>) target_semaphore(%arg16 : memref<!tpu.dma_semaphore, #tpu.memory_space<semaphore_mem>>)
    %add3A_35 = arith.constant 9600 : i32
    %add3A_36 = arith.addi %mul3A_2, %add3A_35 : i32
    %dma_wait3A_37 = arith.constant 0 : i32
    %dma_wait3A_38 = tpu.memref_slice %arg4[%add3A_36, %dma_wait3A_37] : memref<320000x128xf32, #tpu.memory_space<hbm>> -> memref<128x128xf32, #tpu.memory_space<hbm>>
    %dma_wait3A_39 = arith.constant 0 : i32
    %dma_wait3A_40 = tpu.memref_slice %arg4[%add3A_36, %dma_wait3A_39] : memref<320000x128xf32, #tpu.memory_space<hbm>> -> memref<128x128xf32, #tpu.memory_space<hbm>>
    tpu.wait_dma2 semaphore(%arg19 : memref<!tpu.dma_semaphore, #tpu.memory_space<semaphore_mem>>) src(%arg11 : memref<128x128xf32, #tpu.memory_space<vmem>>) dst(%dma_wait3A_40 : memref<128x128xf32, #tpu.memory_space<hbm>>)
    %dma_wait3A_41 = arith.constant 9856 : i32
    %dma_wait3A_42 = tpu.memref_slice %arg6[%dma_wait3A_41] : memref<9984xi32, #tpu.memory_space<vmem>> -> memref<128xi32, #tpu.memory_space<vmem>>
    %dma_wait3A_43 = arith.constant 0 : i32
    %dma_wait3A_44 = arith.constant 0 : i32
    %dma_wait3A_45 = tpu.memref_slice %arg5[%dma_wait3A_43, %dma_wait3A_44] : memref<216x128xf32, #tpu.memory_space<vmem_shared>> -> memref<216x128xf32, #tpu.memory_space<vmem_shared>>
    tpu.wait_indirect_dma semaphore(%arg13 : memref<!tpu.dma_semaphore, #tpu.memory_space<semaphore_mem>>) src(%dma_wait3A_45 : memref<216x128xf32, #tpu.memory_space<vmem_shared>>) dst(%arg9 : memref<128x128xf32, #tpu.memory_space<vmem>>)
    %add3A_46 = arith.constant 9856 : i32
    %add3A_47 = arith.addi %mul3A_2, %add3A_46 : i32
    %dma_start3A_48 = arith.constant 0 : i32
    %dma_start3A_49 = tpu.memref_slice %arg4[%add3A_47, %dma_start3A_48] : memref<320000x128xf32, #tpu.memory_space<hbm>> -> memref<128x128xf32, #tpu.memory_space<hbm>>
    %dma_start3A_50 = arith.constant 0 : i32
    %dma_start3A_51 = tpu.memref_slice %arg4[%add3A_47, %dma_start3A_50] : memref<320000x128xf32, #tpu.memory_space<hbm>> -> memref<128x128xf32, #tpu.memory_space<hbm>>
    tpu.enqueue_dma source(%arg9 : memref<128x128xf32, #tpu.memory_space<vmem>>) target(%dma_start3A_51 : memref<128x128xf32, #tpu.memory_space<hbm>>) target_semaphore(%arg17 : memref<!tpu.dma_semaphore, #tpu.memory_space<semaphore_mem>>)
    %add3A_52 = arith.constant 9728 : i32
    %add3A_53 = arith.addi %mul3A_2, %add3A_52 : i32
    %dma_wait3A_54 = arith.constant 0 : i32
    %dma_wait3A_55 = tpu.memref_slice %arg4[%add3A_53, %dma_wait3A_54] : memref<320000x128xf32, #tpu.memory_space<hbm>> -> memref<128x128xf32, #tpu.memory_space<hbm>>
    %dma_wait3A_56 = arith.constant 0 : i32
    %dma_wait3A_57 = tpu.memref_slice %arg4[%add3A_53, %dma_wait3A_56] : memref<320000x128xf32, #tpu.memory_space<hbm>> -> memref<128x128xf32, #tpu.memory_space<hbm>>
    tpu.wait_dma2 semaphore(%arg16 : memref<!tpu.dma_semaphore, #tpu.memory_space<semaphore_mem>>) src(%arg8 : memref<128x128xf32, #tpu.memory_space<vmem>>) dst(%dma_wait3A_57 : memref<128x128xf32, #tpu.memory_space<hbm>>)
    %add3A_58 = arith.constant 9856 : i32
    %add3A_59 = arith.addi %mul3A_2, %add3A_58 : i32
    %dma_wait3A_60 = arith.constant 0 : i32
    %dma_wait3A_61 = tpu.memref_slice %arg4[%add3A_59, %dma_wait3A_60] : memref<320000x128xf32, #tpu.memory_space<hbm>> -> memref<128x128xf32, #tpu.memory_space<hbm>>
    %dma_wait3A_62 = arith.constant 0 : i32
    %dma_wait3A_63 = tpu.memref_slice %arg4[%add3A_59, %dma_wait3A_62] : memref<320000x128xf32, #tpu.memory_space<hbm>> -> memref<128x128xf32, #tpu.memory_space<hbm>>
    tpu.wait_dma2 semaphore(%arg17 : memref<!tpu.dma_semaphore, #tpu.memory_space<semaphore_mem>>) src(%arg9 : memref<128x128xf32, #tpu.memory_space<vmem>>) dst(%dma_wait3A_63 : memref<128x128xf32, #tpu.memory_space<hbm>>)
    %lt3A = arith.constant 4 : i32
    %lt3A_64 = arith.cmpi slt, %add3A, %lt3A : i32
    %convert_element_type3A_65 = arith.extui %lt3A_64 : i1 to i32
    %cond3A_66 = arith.constant 0 : i32
    %cond3A_67 = arith.cmpi ne, %convert_element_type3A_65, %cond3A_66 : i32
    scf.if %cond3A_67 {
      %mul3A_68 = arith.constant 128 : i32
      %mul3A_69 = arith.muli %add3A, %mul3A_68 : i32
      %add3A_70 = arith.constant 319488 : i32
      %add3A_71 = arith.addi %add3A_70, %mul3A_69 : i32
      "tpu.region"() ({
        %run_scoped3A = tpu.sem_alloc : memref<!tpu.dma_semaphore, #tpu.memory_space<semaphore_mem>>
        %dma_start3A_78 = tpu.memref_slice %arg3[%add3A_71] : memref<320000xi32, #tpu.memory_space<hbm>> -> memref<128xi32, #tpu.memory_space<hbm>>
        %dma_start3A_79 = tpu.memref_slice %arg3[%add3A_71] : memref<320000xi32, #tpu.memory_space<hbm>> -> memref<128xi32, #tpu.memory_space<hbm>>
        tpu.enqueue_dma source(%dma_start3A_79 : memref<128xi32, #tpu.memory_space<hbm>>) target(%arg7 : memref<128xi32, #tpu.memory_space<vmem>>) target_semaphore(%run_scoped3A : memref<!tpu.dma_semaphore, #tpu.memory_space<semaphore_mem>>)
        %dma_wait3A_80 = tpu.memref_slice %arg3[%add3A_71] : memref<320000xi32, #tpu.memory_space<hbm>> -> memref<128xi32, #tpu.memory_space<hbm>>
        %dma_wait3A_81 = tpu.memref_slice %arg3[%add3A_71] : memref<320000xi32, #tpu.memory_space<hbm>> -> memref<128xi32, #tpu.memory_space<hbm>>
        tpu.wait_dma2 semaphore(%run_scoped3A : memref<!tpu.dma_semaphore, #tpu.memory_space<semaphore_mem>>) src(%dma_wait3A_81 : memref<128xi32, #tpu.memory_space<hbm>>) dst(%arg7 : memref<128xi32, #tpu.memory_space<vmem>>)
        tpu.yield
      }) : () -> ()
      %dma_start3A_72 = arith.constant 0 : i32
      %dma_start3A_73 = arith.constant 0 : i32
      %dma_start3A_74 = tpu.memref_slice %arg5[%dma_start3A_72, %dma_start3A_73] : memref<216x128xf32, #tpu.memory_space<vmem_shared>> -> memref<216x128xf32, #tpu.memory_space<vmem_shared>>
      tpu.enqueue_indirect_dma source(%dma_start3A_74 : memref<216x128xf32, #tpu.memory_space<vmem_shared>>) target(%arg8 : memref<128x128xf32, #tpu.memory_space<vmem>>) offsets(%arg7 : memref<128xi32, #tpu.memory_space<vmem>>) semaphore(%arg12 : memref<!tpu.dma_semaphore, #tpu.memory_space<semaphore_mem>>)
      %dma_wait3A_75 = arith.constant 0 : i32
      %dma_wait3A_76 = arith.constant 0 : i32
      %dma_wait3A_77 = tpu.memref_slice %arg5[%dma_wait3A_75, %dma_wait3A_76] : memref<216x128xf32, #tpu.memory_space<vmem_shared>> -> memref<216x128xf32, #tpu.memory_space<vmem_shared>>
      tpu.wait_indirect_dma semaphore(%arg12 : memref<!tpu.dma_semaphore, #tpu.memory_space<semaphore_mem>>) src(%dma_wait3A_77 : memref<216x128xf32, #tpu.memory_space<vmem_shared>>) dst(%arg8 : memref<128x128xf32, #tpu.memory_space<vmem>>)
      "tpu.region"() ({
        %run_scoped3A = tpu.sem_alloc : memref<!tpu.dma_semaphore, #tpu.memory_space<semaphore_mem>>
        %dma_start3A_78 = arith.constant 0 : i32
        %dma_start3A_79 = tpu.memref_slice %arg4[%add3A_71, %dma_start3A_78] : memref<320000x128xf32, #tpu.memory_space<hbm>> -> memref<128x128xf32, #tpu.memory_space<hbm>>
        %dma_start3A_80 = arith.constant 0 : i32
        %dma_start3A_81 = tpu.memref_slice %arg4[%add3A_71, %dma_start3A_80] : memref<320000x128xf32, #tpu.memory_space<hbm>> -> memref<128x128xf32, #tpu.memory_space<hbm>>
        tpu.enqueue_dma source(%arg8 : memref<128x128xf32, #tpu.memory_space<vmem>>) target(%dma_start3A_81 : memref<128x128xf32, #tpu.memory_space<hbm>>) target_semaphore(%run_scoped3A : memref<!tpu.dma_semaphore, #tpu.memory_space<semaphore_mem>>)
        %dma_wait3A_82 = arith.constant 0 : i32
        %dma_wait3A_83 = tpu.memref_slice %arg4[%add3A_71, %dma_wait3A_82] : memref<320000x128xf32, #tpu.memory_space<hbm>> -> memref<128x128xf32, #tpu.memory_space<hbm>>
        %dma_wait3A_84 = arith.constant 0 : i32
        %dma_wait3A_85 = tpu.memref_slice %arg4[%add3A_71, %dma_wait3A_84] : memref<320000x128xf32, #tpu.memory_space<hbm>> -> memref<128x128xf32, #tpu.memory_space<hbm>>
        tpu.wait_dma2 semaphore(%run_scoped3A : memref<!tpu.dma_semaphore, #tpu.memory_space<semaphore_mem>>) src(%arg8 : memref<128x128xf32, #tpu.memory_space<vmem>>) dst(%dma_wait3A_85 : memref<128x128xf32, #tpu.memory_space<hbm>>)
        tpu.yield
      }) : () -> ()
    } else {
    }
    return
  }
}

module attributes {stable_mosaic.version = 14 : i64} {
  func.func @_tc_prelude(%arg0: memref<2500x128xi32, #tpu.memory_space<vmem>>, %arg1: memref<2500x128xi32, #tpu.memory_space<vmem>>, %arg2: memref<2500x128xi32, #tpu.memory_space<vmem>>, %arg3: memref<6x128xf32, #tpu.memory_space<vmem>>, %arg4: memref<6x128xf32, #tpu.memory_space<vmem>>, %arg5: memref<6x128xf32, #tpu.memory_space<vmem>>, %arg6: memref<216x128xf32, #tpu.memory_space<vmem>>, %arg7: memref<2500x128xi32, #tpu.memory_space<vmem>>) attributes {dimension_semantics = [], scalar_prefetch = 0 : i64, scratch_operands = 0 : i64, tpu.core_type = #tpu.core_type<tc>} {
    %get3A = arith.constant 0 : index
    %get3A_0 = arith.constant 0 : index
    %get3A_1 = vector.load %arg5[%get3A, %get3A_0] : memref<6x128xf32, #tpu.memory_space<vmem>>, vector<6x128xf32>
    %get3A_2 = arith.constant 0 : index
    %get3A_3 = arith.constant 0 : index
    %get3A_4 = vector.load %arg3[%get3A_2, %get3A_3] : memref<6x128xf32, #tpu.memory_space<vmem>>, vector<1x128xf32>
    %get3A_5 = vector.shape_cast %get3A_4 : vector<1x128xf32> to vector<128xf32>
    %broadcast_in_dim3A = vector.shape_cast %get3A_5 : vector<128xf32> to vector<1x128xf32>
    %get3A_6 = arith.constant 0 : index
    %get3A_7 = arith.constant 0 : index
    %get3A_8 = vector.load %arg4[%get3A_6, %get3A_7] : memref<6x128xf32, #tpu.memory_space<vmem>>, vector<1x128xf32>
    %get3A_9 = vector.shape_cast %get3A_8 : vector<1x128xf32> to vector<128xf32>
    %broadcast_in_dim3A_10 = vector.shape_cast %get3A_9 : vector<128xf32> to vector<1x128xf32>
    %add3A = vector.broadcast %broadcast_in_dim3A : vector<1x128xf32> to vector<6x128xf32>
    %add3A_11 = arith.addf %get3A_1, %add3A : vector<6x128xf32>
    %add3A_12 = vector.broadcast %broadcast_in_dim3A_10 : vector<1x128xf32> to vector<6x128xf32>
    %add3A_13 = arith.addf %add3A_11, %add3A_12 : vector<6x128xf32>
    %swap3A = arith.constant 0 : index
    %swap3A_14 = arith.constant 0 : index
    %swap3A_15 = vector.load %arg6[%swap3A, %swap3A_14] : memref<216x128xf32, #tpu.memory_space<vmem>>, vector<6x128xf32>
    tpu.vector_store %arg6[%swap3A, %swap3A_14], %add3A_13 {strides = array<i32>} : memref<216x128xf32, #tpu.memory_space<vmem>>, vector<6x128xf32>,
    %get3A_16 = arith.constant 1 : index
    %get3A_17 = arith.constant 0 : index
    %get3A_18 = vector.load %arg4[%get3A_16, %get3A_17] : memref<6x128xf32, #tpu.memory_space<vmem>>, vector<1x128xf32>
    %get3A_19 = vector.shape_cast %get3A_18 : vector<1x128xf32> to vector<128xf32>
    %broadcast_in_dim3A_20 = vector.shape_cast %get3A_19 : vector<128xf32> to vector<1x128xf32>
    %add3A_21 = vector.broadcast %broadcast_in_dim3A : vector<1x128xf32> to vector<6x128xf32>
    %add3A_22 = arith.addf %get3A_1, %add3A_21 : vector<6x128xf32>
    %add3A_23 = vector.broadcast %broadcast_in_dim3A_20 : vector<1x128xf32> to vector<6x128xf32>
    %add3A_24 = arith.addf %add3A_22, %add3A_23 : vector<6x128xf32>
    %swap3A_25 = arith.constant 6 : index
    %swap3A_26 = arith.constant 0 : index
    %swap3A_27 = vector.load %arg6[%swap3A_25, %swap3A_26] : memref<216x128xf32, #tpu.memory_space<vmem>>, vector<6x128xf32>
    tpu.vector_store %arg6[%swap3A_25, %swap3A_26], %add3A_24 {strides = array<i32>} : memref<216x128xf32, #tpu.memory_space<vmem>>, vector<6x128xf32>,
    %get3A_28 = arith.constant 2 : index
    %get3A_29 = arith.constant 0 : index
    %get3A_30 = vector.load %arg4[%get3A_28, %get3A_29] : memref<6x128xf32, #tpu.memory_space<vmem>>, vector<1x128xf32>
    %get3A_31 = vector.shape_cast %get3A_30 : vector<1x128xf32> to vector<128xf32>
    %broadcast_in_dim3A_32 = vector.shape_cast %get3A_31 : vector<128xf32> to vector<1x128xf32>
    %add3A_33 = vector.broadcast %broadcast_in_dim3A : vector<1x128xf32> to vector<6x128xf32>
    %add3A_34 = arith.addf %get3A_1, %add3A_33 : vector<6x128xf32>
    %add3A_35 = vector.broadcast %broadcast_in_dim3A_32 : vector<1x128xf32> to vector<6x128xf32>
    %add3A_36 = arith.addf %add3A_34, %add3A_35 : vector<6x128xf32>
    %swap3A_37 = arith.constant 12 : index
    %swap3A_38 = arith.constant 0 : index
    %swap3A_39 = vector.load %arg6[%swap3A_37, %swap3A_38] : memref<216x128xf32, #tpu.memory_space<vmem>>, vector<6x128xf32>
    tpu.vector_store %arg6[%swap3A_37, %swap3A_38], %add3A_36 {strides = array<i32>} : memref<216x128xf32, #tpu.memory_space<vmem>>, vector<6x128xf32>,
    %get3A_40 = arith.constant 3 : index
    %get3A_41 = arith.constant 0 : index
    %get3A_42 = vector.load %arg4[%get3A_40, %get3A_41] : memref<6x128xf32, #tpu.memory_space<vmem>>, vector<1x128xf32>
    %get3A_43 = vector.shape_cast %get3A_42 : vector<1x128xf32> to vector<128xf32>
    %broadcast_in_dim3A_44 = vector.shape_cast %get3A_43 : vector<128xf32> to vector<1x128xf32>
    %add3A_45 = vector.broadcast %broadcast_in_dim3A : vector<1x128xf32> to vector<6x128xf32>
    %add3A_46 = arith.addf %get3A_1, %add3A_45 : vector<6x128xf32>
    %add3A_47 = vector.broadcast %broadcast_in_dim3A_44 : vector<1x128xf32> to vector<6x128xf32>
    %add3A_48 = arith.addf %add3A_46, %add3A_47 : vector<6x128xf32>
    %swap3A_49 = arith.constant 18 : index
    %swap3A_50 = arith.constant 0 : index
    %swap3A_51 = vector.load %arg6[%swap3A_49, %swap3A_50] : memref<216x128xf32, #tpu.memory_space<vmem>>, vector<6x128xf32>
    tpu.vector_store %arg6[%swap3A_49, %swap3A_50], %add3A_48 {strides = array<i32>} : memref<216x128xf32, #tpu.memory_space<vmem>>, vector<6x128xf32>,
    %get3A_52 = arith.constant 4 : index
    %get3A_53 = arith.constant 0 : index
    %get3A_54 = vector.load %arg4[%get3A_52, %get3A_53] : memref<6x128xf32, #tpu.memory_space<vmem>>, vector<1x128xf32>
    %get3A_55 = vector.shape_cast %get3A_54 : vector<1x128xf32> to vector<128xf32>
    %broadcast_in_dim3A_56 = vector.shape_cast %get3A_55 : vector<128xf32> to vector<1x128xf32>
    %add3A_57 = vector.broadcast %broadcast_in_dim3A : vector<1x128xf32> to vector<6x128xf32>
    %add3A_58 = arith.addf %get3A_1, %add3A_57 : vector<6x128xf32>
    %add3A_59 = vector.broadcast %broadcast_in_dim3A_56 : vector<1x128xf32> to vector<6x128xf32>
    %add3A_60 = arith.addf %add3A_58, %add3A_59 : vector<6x128xf32>
    %swap3A_61 = arith.constant 24 : index
    %swap3A_62 = arith.constant 0 : index
    %swap3A_63 = vector.load %arg6[%swap3A_61, %swap3A_62] : memref<216x128xf32, #tpu.memory_space<vmem>>, vector<6x128xf32>
    tpu.vector_store %arg6[%swap3A_61, %swap3A_62], %add3A_60 {strides = array<i32>} : memref<216x128xf32, #tpu.memory_space<vmem>>, vector<6x128xf32>,
    %get3A_64 = arith.constant 5 : index
    %get3A_65 = arith.constant 0 : index
    %get3A_66 = vector.load %arg4[%get3A_64, %get3A_65] : memref<6x128xf32, #tpu.memory_space<vmem>>, vector<1x128xf32>
    %get3A_67 = vector.shape_cast %get3A_66 : vector<1x128xf32> to vector<128xf32>
    %broadcast_in_dim3A_68 = vector.shape_cast %get3A_67 : vector<128xf32> to vector<1x128xf32>
    %add3A_69 = vector.broadcast %broadcast_in_dim3A : vector<1x128xf32> to vector<6x128xf32>
    %add3A_70 = arith.addf %get3A_1, %add3A_69 : vector<6x128xf32>
    %add3A_71 = vector.broadcast %broadcast_in_dim3A_68 : vector<1x128xf32> to vector<6x128xf32>
    %add3A_72 = arith.addf %add3A_70, %add3A_71 : vector<6x128xf32>
    %swap3A_73 = arith.constant 30 : index
    %swap3A_74 = arith.constant 0 : index
    %swap3A_75 = vector.load %arg6[%swap3A_73, %swap3A_74] : memref<216x128xf32, #tpu.memory_space<vmem>>, vector<6x128xf32>
    tpu.vector_store %arg6[%swap3A_73, %swap3A_74], %add3A_72 {strides = array<i32>} : memref<216x128xf32, #tpu.memory_space<vmem>>, vector<6x128xf32>,
    %get3A_76 = arith.constant 1 : index
    %get3A_77 = arith.constant 0 : index
    %get3A_78 = vector.load %arg3[%get3A_76, %get3A_77] : memref<6x128xf32, #tpu.memory_space<vmem>>, vector<1x128xf32>
    %get3A_79 = vector.shape_cast %get3A_78 : vector<1x128xf32> to vector<128xf32>
    %broadcast_in_dim3A_80 = vector.shape_cast %get3A_79 : vector<128xf32> to vector<1x128xf32>
    %get3A_81 = arith.constant 0 : index
    %get3A_82 = arith.constant 0 : index
    %get3A_83 = vector.load %arg4[%get3A_81, %get3A_82] : memref<6x128xf32, #tpu.memory_space<vmem>>, vector<1x128xf32>
    %get3A_84 = vector.shape_cast %get3A_83 : vector<1x128xf32> to vector<128xf32>
    %broadcast_in_dim3A_85 = vector.shape_cast %get3A_84 : vector<128xf32> to vector<1x128xf32>
    %add3A_86 = vector.broadcast %broadcast_in_dim3A_80 : vector<1x128xf32> to vector<6x128xf32>
    %add3A_87 = arith.addf %get3A_1, %add3A_86 : vector<6x128xf32>
    %add3A_88 = vector.broadcast %broadcast_in_dim3A_85 : vector<1x128xf32> to vector<6x128xf32>
    %add3A_89 = arith.addf %add3A_87, %add3A_88 : vector<6x128xf32>
    %swap3A_90 = arith.constant 36 : index
    %swap3A_91 = arith.constant 0 : index
    %swap3A_92 = vector.load %arg6[%swap3A_90, %swap3A_91] : memref<216x128xf32, #tpu.memory_space<vmem>>, vector<6x128xf32>
    tpu.vector_store %arg6[%swap3A_90, %swap3A_91], %add3A_89 {strides = array<i32>} : memref<216x128xf32, #tpu.memory_space<vmem>>, vector<6x128xf32>,
    %get3A_93 = arith.constant 1 : index
    %get3A_94 = arith.constant 0 : index
    %get3A_95 = vector.load %arg4[%get3A_93, %get3A_94] : memref<6x128xf32, #tpu.memory_space<vmem>>, vector<1x128xf32>
    %get3A_96 = vector.shape_cast %get3A_95 : vector<1x128xf32> to vector<128xf32>
    %broadcast_in_dim3A_97 = vector.shape_cast %get3A_96 : vector<128xf32> to vector<1x128xf32>
    %add3A_98 = vector.broadcast %broadcast_in_dim3A_80 : vector<1x128xf32> to vector<6x128xf32>
    %add3A_99 = arith.addf %get3A_1, %add3A_98 : vector<6x128xf32>
    %add3A_100 = vector.broadcast %broadcast_in_dim3A_97 : vector<1x128xf32> to vector<6x128xf32>
    %add3A_101 = arith.addf %add3A_99, %add3A_100 : vector<6x128xf32>
    %swap3A_102 = arith.constant 42 : index
    %swap3A_103 = arith.constant 0 : index
    %swap3A_104 = vector.load %arg6[%swap3A_102, %swap3A_103] : memref<216x128xf32, #tpu.memory_space<vmem>>, vector<6x128xf32>
    tpu.vector_store %arg6[%swap3A_102, %swap3A_103], %add3A_101 {strides = array<i32>} : memref<216x128xf32, #tpu.memory_space<vmem>>, vector<6x128xf32>,
    %get3A_105 = arith.constant 2 : index
    %get3A_106 = arith.constant 0 : index
    %get3A_107 = vector.load %arg4[%get3A_105, %get3A_106] : memref<6x128xf32, #tpu.memory_space<vmem>>, vector<1x128xf32>
    %get3A_108 = vector.shape_cast %get3A_107 : vector<1x128xf32> to vector<128xf32>
    %broadcast_in_dim3A_109 = vector.shape_cast %get3A_108 : vector<128xf32> to vector<1x128xf32>
    %add3A_110 = vector.broadcast %broadcast_in_dim3A_80 : vector<1x128xf32> to vector<6x128xf32>
    %add3A_111 = arith.addf %get3A_1, %add3A_110 : vector<6x128xf32>
    %add3A_112 = vector.broadcast %broadcast_in_dim3A_109 : vector<1x128xf32> to vector<6x128xf32>
    %add3A_113 = arith.addf %add3A_111, %add3A_112 : vector<6x128xf32>
    %swap3A_114 = arith.constant 48 : index
    %swap3A_115 = arith.constant 0 : index
    %swap3A_116 = vector.load %arg6[%swap3A_114, %swap3A_115] : memref<216x128xf32, #tpu.memory_space<vmem>>, vector<6x128xf32>
    tpu.vector_store %arg6[%swap3A_114, %swap3A_115], %add3A_113 {strides = array<i32>} : memref<216x128xf32, #tpu.memory_space<vmem>>, vector<6x128xf32>,
    %get3A_117 = arith.constant 3 : index
    %get3A_118 = arith.constant 0 : index
    %get3A_119 = vector.load %arg4[%get3A_117, %get3A_118] : memref<6x128xf32, #tpu.memory_space<vmem>>, vector<1x128xf32>
    %get3A_120 = vector.shape_cast %get3A_119 : vector<1x128xf32> to vector<128xf32>
    %broadcast_in_dim3A_121 = vector.shape_cast %get3A_120 : vector<128xf32> to vector<1x128xf32>
    %add3A_122 = vector.broadcast %broadcast_in_dim3A_80 : vector<1x128xf32> to vector<6x128xf32>
    %add3A_123 = arith.addf %get3A_1, %add3A_122 : vector<6x128xf32>
    %add3A_124 = vector.broadcast %broadcast_in_dim3A_121 : vector<1x128xf32> to vector<6x128xf32>
    %add3A_125 = arith.addf %add3A_123, %add3A_124 : vector<6x128xf32>
    %swap3A_126 = arith.constant 54 : index
    %swap3A_127 = arith.constant 0 : index
    %swap3A_128 = vector.load %arg6[%swap3A_126, %swap3A_127] : memref<216x128xf32, #tpu.memory_space<vmem>>, vector<6x128xf32>
    tpu.vector_store %arg6[%swap3A_126, %swap3A_127], %add3A_125 {strides = array<i32>} : memref<216x128xf32, #tpu.memory_space<vmem>>, vector<6x128xf32>,
    %get3A_129 = arith.constant 4 : index
    %get3A_130 = arith.constant 0 : index
    %get3A_131 = vector.load %arg4[%get3A_129, %get3A_130] : memref<6x128xf32, #tpu.memory_space<vmem>>, vector<1x128xf32>
    %get3A_132 = vector.shape_cast %get3A_131 : vector<1x128xf32> to vector<128xf32>
    %broadcast_in_dim3A_133 = vector.shape_cast %get3A_132 : vector<128xf32> to vector<1x128xf32>
    %add3A_134 = vector.broadcast %broadcast_in_dim3A_80 : vector<1x128xf32> to vector<6x128xf32>
    %add3A_135 = arith.addf %get3A_1, %add3A_134 : vector<6x128xf32>
    %add3A_136 = vector.broadcast %broadcast_in_dim3A_133 : vector<1x128xf32> to vector<6x128xf32>
    %add3A_137 = arith.addf %add3A_135, %add3A_136 : vector<6x128xf32>
    %swap3A_138 = arith.constant 60 : index
    %swap3A_139 = arith.constant 0 : index
    %swap3A_140 = vector.load %arg6[%swap3A_138, %swap3A_139] : memref<216x128xf32, #tpu.memory_space<vmem>>, vector<6x128xf32>
    tpu.vector_store %arg6[%swap3A_138, %swap3A_139], %add3A_137 {strides = array<i32>} : memref<216x128xf32, #tpu.memory_space<vmem>>, vector<6x128xf32>,
    %get3A_141 = arith.constant 5 : index
    %get3A_142 = arith.constant 0 : index
    %get3A_143 = vector.load %arg4[%get3A_141, %get3A_142] : memref<6x128xf32, #tpu.memory_space<vmem>>, vector<1x128xf32>
    %get3A_144 = vector.shape_cast %get3A_143 : vector<1x128xf32> to vector<128xf32>
    %broadcast_in_dim3A_145 = vector.shape_cast %get3A_144 : vector<128xf32> to vector<1x128xf32>
    %add3A_146 = vector.broadcast %broadcast_in_dim3A_80 : vector<1x128xf32> to vector<6x128xf32>
    %add3A_147 = arith.addf %get3A_1, %add3A_146 : vector<6x128xf32>
    %add3A_148 = vector.broadcast %broadcast_in_dim3A_145 : vector<1x128xf32> to vector<6x128xf32>
    %add3A_149 = arith.addf %add3A_147, %add3A_148 : vector<6x128xf32>
    %swap3A_150 = arith.constant 66 : index
    %swap3A_151 = arith.constant 0 : index
    %swap3A_152 = vector.load %arg6[%swap3A_150, %swap3A_151] : memref<216x128xf32, #tpu.memory_space<vmem>>, vector<6x128xf32>
    tpu.vector_store %arg6[%swap3A_150, %swap3A_151], %add3A_149 {strides = array<i32>} : memref<216x128xf32, #tpu.memory_space<vmem>>, vector<6x128xf32>,
    %get3A_153 = arith.constant 2 : index
    %get3A_154 = arith.constant 0 : index
    %get3A_155 = vector.load %arg3[%get3A_153, %get3A_154] : memref<6x128xf32, #tpu.memory_space<vmem>>, vector<1x128xf32>
    %get3A_156 = vector.shape_cast %get3A_155 : vector<1x128xf32> to vector<128xf32>
    %broadcast_in_dim3A_157 = vector.shape_cast %get3A_156 : vector<128xf32> to vector<1x128xf32>
    %get3A_158 = arith.constant 0 : index
    %get3A_159 = arith.constant 0 : index
    %get3A_160 = vector.load %arg4[%get3A_158, %get3A_159] : memref<6x128xf32, #tpu.memory_space<vmem>>, vector<1x128xf32>
    %get3A_161 = vector.shape_cast %get3A_160 : vector<1x128xf32> to vector<128xf32>
    %broadcast_in_dim3A_162 = vector.shape_cast %get3A_161 : vector<128xf32> to vector<1x128xf32>
    %add3A_163 = vector.broadcast %broadcast_in_dim3A_157 : vector<1x128xf32> to vector<6x128xf32>
    %add3A_164 = arith.addf %get3A_1, %add3A_163 : vector<6x128xf32>
    %add3A_165 = vector.broadcast %broadcast_in_dim3A_162 : vector<1x128xf32> to vector<6x128xf32>
    %add3A_166 = arith.addf %add3A_164, %add3A_165 : vector<6x128xf32>
    %swap3A_167 = arith.constant 72 : index
    %swap3A_168 = arith.constant 0 : index
    %swap3A_169 = vector.load %arg6[%swap3A_167, %swap3A_168] : memref<216x128xf32, #tpu.memory_space<vmem>>, vector<6x128xf32>
    tpu.vector_store %arg6[%swap3A_167, %swap3A_168], %add3A_166 {strides = array<i32>} : memref<216x128xf32, #tpu.memory_space<vmem>>, vector<6x128xf32>,
    %get3A_170 = arith.constant 1 : index
    %get3A_171 = arith.constant 0 : index
    %get3A_172 = vector.load %arg4[%get3A_170, %get3A_171] : memref<6x128xf32, #tpu.memory_space<vmem>>, vector<1x128xf32>
    %get3A_173 = vector.shape_cast %get3A_172 : vector<1x128xf32> to vector<128xf32>
    %broadcast_in_dim3A_174 = vector.shape_cast %get3A_173 : vector<128xf32> to vector<1x128xf32>
    %add3A_175 = vector.broadcast %broadcast_in_dim3A_157 : vector<1x128xf32> to vector<6x128xf32>
    %add3A_176 = arith.addf %get3A_1, %add3A_175 : vector<6x128xf32>
    %add3A_177 = vector.broadcast %broadcast_in_dim3A_174 : vector<1x128xf32> to vector<6x128xf32>
    %add3A_178 = arith.addf %add3A_176, %add3A_177 : vector<6x128xf32>
    %swap3A_179 = arith.constant 78 : index
    %swap3A_180 = arith.constant 0 : index
    %swap3A_181 = vector.load %arg6[%swap3A_179, %swap3A_180] : memref<216x128xf32, #tpu.memory_space<vmem>>, vector<6x128xf32>
    tpu.vector_store %arg6[%swap3A_179, %swap3A_180], %add3A_178 {strides = array<i32>} : memref<216x128xf32, #tpu.memory_space<vmem>>, vector<6x128xf32>,
    %get3A_182 = arith.constant 2 : index
    %get3A_183 = arith.constant 0 : index
    %get3A_184 = vector.load %arg4[%get3A_182, %get3A_183] : memref<6x128xf32, #tpu.memory_space<vmem>>, vector<1x128xf32>
    %get3A_185 = vector.shape_cast %get3A_184 : vector<1x128xf32> to vector<128xf32>
    %broadcast_in_dim3A_186 = vector.shape_cast %get3A_185 : vector<128xf32> to vector<1x128xf32>
    %add3A_187 = vector.broadcast %broadcast_in_dim3A_157 : vector<1x128xf32> to vector<6x128xf32>
    %add3A_188 = arith.addf %get3A_1, %add3A_187 : vector<6x128xf32>
    %add3A_189 = vector.broadcast %broadcast_in_dim3A_186 : vector<1x128xf32> to vector<6x128xf32>
    %add3A_190 = arith.addf %add3A_188, %add3A_189 : vector<6x128xf32>
    %swap3A_191 = arith.constant 84 : index
    %swap3A_192 = arith.constant 0 : index
    %swap3A_193 = vector.load %arg6[%swap3A_191, %swap3A_192] : memref<216x128xf32, #tpu.memory_space<vmem>>, vector<6x128xf32>
    tpu.vector_store %arg6[%swap3A_191, %swap3A_192], %add3A_190 {strides = array<i32>} : memref<216x128xf32, #tpu.memory_space<vmem>>, vector<6x128xf32>,
    %get3A_194 = arith.constant 3 : index
    %get3A_195 = arith.constant 0 : index
    %get3A_196 = vector.load %arg4[%get3A_194, %get3A_195] : memref<6x128xf32, #tpu.memory_space<vmem>>, vector<1x128xf32>
    %get3A_197 = vector.shape_cast %get3A_196 : vector<1x128xf32> to vector<128xf32>
    %broadcast_in_dim3A_198 = vector.shape_cast %get3A_197 : vector<128xf32> to vector<1x128xf32>
    %add3A_199 = vector.broadcast %broadcast_in_dim3A_157 : vector<1x128xf32> to vector<6x128xf32>
    %add3A_200 = arith.addf %get3A_1, %add3A_199 : vector<6x128xf32>
    %add3A_201 = vector.broadcast %broadcast_in_dim3A_198 : vector<1x128xf32> to vector<6x128xf32>
    %add3A_202 = arith.addf %add3A_200, %add3A_201 : vector<6x128xf32>
    %swap3A_203 = arith.constant 90 : index
    %swap3A_204 = arith.constant 0 : index
    %swap3A_205 = vector.load %arg6[%swap3A_203, %swap3A_204] : memref<216x128xf32, #tpu.memory_space<vmem>>, vector<6x128xf32>
    tpu.vector_store %arg6[%swap3A_203, %swap3A_204], %add3A_202 {strides = array<i32>} : memref<216x128xf32, #tpu.memory_space<vmem>>, vector<6x128xf32>,
    %get3A_206 = arith.constant 4 : index
    %get3A_207 = arith.constant 0 : index
    %get3A_208 = vector.load %arg4[%get3A_206, %get3A_207] : memref<6x128xf32, #tpu.memory_space<vmem>>, vector<1x128xf32>
    %get3A_209 = vector.shape_cast %get3A_208 : vector<1x128xf32> to vector<128xf32>
    %broadcast_in_dim3A_210 = vector.shape_cast %get3A_209 : vector<128xf32> to vector<1x128xf32>
    %add3A_211 = vector.broadcast %broadcast_in_dim3A_157 : vector<1x128xf32> to vector<6x128xf32>
    %add3A_212 = arith.addf %get3A_1, %add3A_211 : vector<6x128xf32>
    %add3A_213 = vector.broadcast %broadcast_in_dim3A_210 : vector<1x128xf32> to vector<6x128xf32>
    %add3A_214 = arith.addf %add3A_212, %add3A_213 : vector<6x128xf32>
    %swap3A_215 = arith.constant 96 : index
    %swap3A_216 = arith.constant 0 : index
    %swap3A_217 = vector.load %arg6[%swap3A_215, %swap3A_216] : memref<216x128xf32, #tpu.memory_space<vmem>>, vector<6x128xf32>
    tpu.vector_store %arg6[%swap3A_215, %swap3A_216], %add3A_214 {strides = array<i32>} : memref<216x128xf32, #tpu.memory_space<vmem>>, vector<6x128xf32>,
    %get3A_218 = arith.constant 5 : index
    %get3A_219 = arith.constant 0 : index
    %get3A_220 = vector.load %arg4[%get3A_218, %get3A_219] : memref<6x128xf32, #tpu.memory_space<vmem>>, vector<1x128xf32>
    %get3A_221 = vector.shape_cast %get3A_220 : vector<1x128xf32> to vector<128xf32>
    %broadcast_in_dim3A_222 = vector.shape_cast %get3A_221 : vector<128xf32> to vector<1x128xf32>
    %add3A_223 = vector.broadcast %broadcast_in_dim3A_157 : vector<1x128xf32> to vector<6x128xf32>
    %add3A_224 = arith.addf %get3A_1, %add3A_223 : vector<6x128xf32>
    %add3A_225 = vector.broadcast %broadcast_in_dim3A_222 : vector<1x128xf32> to vector<6x128xf32>
    %add3A_226 = arith.addf %add3A_224, %add3A_225 : vector<6x128xf32>
    %swap3A_227 = arith.constant 102 : index
    %swap3A_228 = arith.constant 0 : index
    %swap3A_229 = vector.load %arg6[%swap3A_227, %swap3A_228] : memref<216x128xf32, #tpu.memory_space<vmem>>, vector<6x128xf32>
    tpu.vector_store %arg6[%swap3A_227, %swap3A_228], %add3A_226 {strides = array<i32>} : memref<216x128xf32, #tpu.memory_space<vmem>>, vector<6x128xf32>,
    %get3A_230 = arith.constant 3 : index
    %get3A_231 = arith.constant 0 : index
    %get3A_232 = vector.load %arg3[%get3A_230, %get3A_231] : memref<6x128xf32, #tpu.memory_space<vmem>>, vector<1x128xf32>
    %get3A_233 = vector.shape_cast %get3A_232 : vector<1x128xf32> to vector<128xf32>
    %broadcast_in_dim3A_234 = vector.shape_cast %get3A_233 : vector<128xf32> to vector<1x128xf32>
    %get3A_235 = arith.constant 0 : index
    %get3A_236 = arith.constant 0 : index
    %get3A_237 = vector.load %arg4[%get3A_235, %get3A_236] : memref<6x128xf32, #tpu.memory_space<vmem>>, vector<1x128xf32>
    %get3A_238 = vector.shape_cast %get3A_237 : vector<1x128xf32> to vector<128xf32>
    %broadcast_in_dim3A_239 = vector.shape_cast %get3A_238 : vector<128xf32> to vector<1x128xf32>
    %add3A_240 = vector.broadcast %broadcast_in_dim3A_234 : vector<1x128xf32> to vector<6x128xf32>
    %add3A_241 = arith.addf %get3A_1, %add3A_240 : vector<6x128xf32>
    %add3A_242 = vector.broadcast %broadcast_in_dim3A_239 : vector<1x128xf32> to vector<6x128xf32>
    %add3A_243 = arith.addf %add3A_241, %add3A_242 : vector<6x128xf32>
    %swap3A_244 = arith.constant 108 : index
    %swap3A_245 = arith.constant 0 : index
    %swap3A_246 = vector.load %arg6[%swap3A_244, %swap3A_245] : memref<216x128xf32, #tpu.memory_space<vmem>>, vector<6x128xf32>
    tpu.vector_store %arg6[%swap3A_244, %swap3A_245], %add3A_243 {strides = array<i32>} : memref<216x128xf32, #tpu.memory_space<vmem>>, vector<6x128xf32>,
    %get3A_247 = arith.constant 1 : index
    %get3A_248 = arith.constant 0 : index
    %get3A_249 = vector.load %arg4[%get3A_247, %get3A_248] : memref<6x128xf32, #tpu.memory_space<vmem>>, vector<1x128xf32>
    %get3A_250 = vector.shape_cast %get3A_249 : vector<1x128xf32> to vector<128xf32>
    %broadcast_in_dim3A_251 = vector.shape_cast %get3A_250 : vector<128xf32> to vector<1x128xf32>
    %add3A_252 = vector.broadcast %broadcast_in_dim3A_234 : vector<1x128xf32> to vector<6x128xf32>
    %add3A_253 = arith.addf %get3A_1, %add3A_252 : vector<6x128xf32>
    %add3A_254 = vector.broadcast %broadcast_in_dim3A_251 : vector<1x128xf32> to vector<6x128xf32>
    %add3A_255 = arith.addf %add3A_253, %add3A_254 : vector<6x128xf32>
    %swap3A_256 = arith.constant 114 : index
    %swap3A_257 = arith.constant 0 : index
    %swap3A_258 = vector.load %arg6[%swap3A_256, %swap3A_257] : memref<216x128xf32, #tpu.memory_space<vmem>>, vector<6x128xf32>
    tpu.vector_store %arg6[%swap3A_256, %swap3A_257], %add3A_255 {strides = array<i32>} : memref<216x128xf32, #tpu.memory_space<vmem>>, vector<6x128xf32>,
    %get3A_259 = arith.constant 2 : index
    %get3A_260 = arith.constant 0 : index
    %get3A_261 = vector.load %arg4[%get3A_259, %get3A_260] : memref<6x128xf32, #tpu.memory_space<vmem>>, vector<1x128xf32>
    %get3A_262 = vector.shape_cast %get3A_261 : vector<1x128xf32> to vector<128xf32>
    %broadcast_in_dim3A_263 = vector.shape_cast %get3A_262 : vector<128xf32> to vector<1x128xf32>
    %add3A_264 = vector.broadcast %broadcast_in_dim3A_234 : vector<1x128xf32> to vector<6x128xf32>
    %add3A_265 = arith.addf %get3A_1, %add3A_264 : vector<6x128xf32>
    %add3A_266 = vector.broadcast %broadcast_in_dim3A_263 : vector<1x128xf32> to vector<6x128xf32>
    %add3A_267 = arith.addf %add3A_265, %add3A_266 : vector<6x128xf32>
    %swap3A_268 = arith.constant 120 : index
    %swap3A_269 = arith.constant 0 : index
    %swap3A_270 = vector.load %arg6[%swap3A_268, %swap3A_269] : memref<216x128xf32, #tpu.memory_space<vmem>>, vector<6x128xf32>
    tpu.vector_store %arg6[%swap3A_268, %swap3A_269], %add3A_267 {strides = array<i32>} : memref<216x128xf32, #tpu.memory_space<vmem>>, vector<6x128xf32>,
    %get3A_271 = arith.constant 3 : index
    %get3A_272 = arith.constant 0 : index
    %get3A_273 = vector.load %arg4[%get3A_271, %get3A_272] : memref<6x128xf32, #tpu.memory_space<vmem>>, vector<1x128xf32>
    %get3A_274 = vector.shape_cast %get3A_273 : vector<1x128xf32> to vector<128xf32>
    %broadcast_in_dim3A_275 = vector.shape_cast %get3A_274 : vector<128xf32> to vector<1x128xf32>
    %add3A_276 = vector.broadcast %broadcast_in_dim3A_234 : vector<1x128xf32> to vector<6x128xf32>
    %add3A_277 = arith.addf %get3A_1, %add3A_276 : vector<6x128xf32>
    %add3A_278 = vector.broadcast %broadcast_in_dim3A_275 : vector<1x128xf32> to vector<6x128xf32>
    %add3A_279 = arith.addf %add3A_277, %add3A_278 : vector<6x128xf32>
    %swap3A_280 = arith.constant 126 : index
    %swap3A_281 = arith.constant 0 : index
    %swap3A_282 = vector.load %arg6[%swap3A_280, %swap3A_281] : memref<216x128xf32, #tpu.memory_space<vmem>>, vector<6x128xf32>
    tpu.vector_store %arg6[%swap3A_280, %swap3A_281], %add3A_279 {strides = array<i32>} : memref<216x128xf32, #tpu.memory_space<vmem>>, vector<6x128xf32>,
    %get3A_283 = arith.constant 4 : index
    %get3A_284 = arith.constant 0 : index
    %get3A_285 = vector.load %arg4[%get3A_283, %get3A_284] : memref<6x128xf32, #tpu.memory_space<vmem>>, vector<1x128xf32>
    %get3A_286 = vector.shape_cast %get3A_285 : vector<1x128xf32> to vector<128xf32>
    %broadcast_in_dim3A_287 = vector.shape_cast %get3A_286 : vector<128xf32> to vector<1x128xf32>
    %add3A_288 = vector.broadcast %broadcast_in_dim3A_234 : vector<1x128xf32> to vector<6x128xf32>
    %add3A_289 = arith.addf %get3A_1, %add3A_288 : vector<6x128xf32>
    %add3A_290 = vector.broadcast %broadcast_in_dim3A_287 : vector<1x128xf32> to vector<6x128xf32>
    %add3A_291 = arith.addf %add3A_289, %add3A_290 : vector<6x128xf32>
    %swap3A_292 = arith.constant 132 : index
    %swap3A_293 = arith.constant 0 : index
    %swap3A_294 = vector.load %arg6[%swap3A_292, %swap3A_293] : memref<216x128xf32, #tpu.memory_space<vmem>>, vector<6x128xf32>
    tpu.vector_store %arg6[%swap3A_292, %swap3A_293], %add3A_291 {strides = array<i32>} : memref<216x128xf32, #tpu.memory_space<vmem>>, vector<6x128xf32>,
    %get3A_295 = arith.constant 5 : index
    %get3A_296 = arith.constant 0 : index
    %get3A_297 = vector.load %arg4[%get3A_295, %get3A_296] : memref<6x128xf32, #tpu.memory_space<vmem>>, vector<1x128xf32>
    %get3A_298 = vector.shape_cast %get3A_297 : vector<1x128xf32> to vector<128xf32>
    %broadcast_in_dim3A_299 = vector.shape_cast %get3A_298 : vector<128xf32> to vector<1x128xf32>
    %add3A_300 = vector.broadcast %broadcast_in_dim3A_234 : vector<1x128xf32> to vector<6x128xf32>
    %add3A_301 = arith.addf %get3A_1, %add3A_300 : vector<6x128xf32>
    %add3A_302 = vector.broadcast %broadcast_in_dim3A_299 : vector<1x128xf32> to vector<6x128xf32>
    %add3A_303 = arith.addf %add3A_301, %add3A_302 : vector<6x128xf32>
    %swap3A_304 = arith.constant 138 : index
    %swap3A_305 = arith.constant 0 : index
    %swap3A_306 = vector.load %arg6[%swap3A_304, %swap3A_305] : memref<216x128xf32, #tpu.memory_space<vmem>>, vector<6x128xf32>
    tpu.vector_store %arg6[%swap3A_304, %swap3A_305], %add3A_303 {strides = array<i32>} : memref<216x128xf32, #tpu.memory_space<vmem>>, vector<6x128xf32>,
    %get3A_307 = arith.constant 4 : index
    %get3A_308 = arith.constant 0 : index
    %get3A_309 = vector.load %arg3[%get3A_307, %get3A_308] : memref<6x128xf32, #tpu.memory_space<vmem>>, vector<1x128xf32>
    %get3A_310 = vector.shape_cast %get3A_309 : vector<1x128xf32> to vector<128xf32>
    %broadcast_in_dim3A_311 = vector.shape_cast %get3A_310 : vector<128xf32> to vector<1x128xf32>
    %get3A_312 = arith.constant 0 : index
    %get3A_313 = arith.constant 0 : index
    %get3A_314 = vector.load %arg4[%get3A_312, %get3A_313] : memref<6x128xf32, #tpu.memory_space<vmem>>, vector<1x128xf32>
    %get3A_315 = vector.shape_cast %get3A_314 : vector<1x128xf32> to vector<128xf32>
    %broadcast_in_dim3A_316 = vector.shape_cast %get3A_315 : vector<128xf32> to vector<1x128xf32>
    %add3A_317 = vector.broadcast %broadcast_in_dim3A_311 : vector<1x128xf32> to vector<6x128xf32>
    %add3A_318 = arith.addf %get3A_1, %add3A_317 : vector<6x128xf32>
    %add3A_319 = vector.broadcast %broadcast_in_dim3A_316 : vector<1x128xf32> to vector<6x128xf32>
    %add3A_320 = arith.addf %add3A_318, %add3A_319 : vector<6x128xf32>
    %swap3A_321 = arith.constant 144 : index
    %swap3A_322 = arith.constant 0 : index
    %swap3A_323 = vector.load %arg6[%swap3A_321, %swap3A_322] : memref<216x128xf32, #tpu.memory_space<vmem>>, vector<6x128xf32>
    tpu.vector_store %arg6[%swap3A_321, %swap3A_322], %add3A_320 {strides = array<i32>} : memref<216x128xf32, #tpu.memory_space<vmem>>, vector<6x128xf32>,
    %get3A_324 = arith.constant 1 : index
    %get3A_325 = arith.constant 0 : index
    %get3A_326 = vector.load %arg4[%get3A_324, %get3A_325] : memref<6x128xf32, #tpu.memory_space<vmem>>, vector<1x128xf32>
    %get3A_327 = vector.shape_cast %get3A_326 : vector<1x128xf32> to vector<128xf32>
    %broadcast_in_dim3A_328 = vector.shape_cast %get3A_327 : vector<128xf32> to vector<1x128xf32>
    %add3A_329 = vector.broadcast %broadcast_in_dim3A_311 : vector<1x128xf32> to vector<6x128xf32>
    %add3A_330 = arith.addf %get3A_1, %add3A_329 : vector<6x128xf32>
    %add3A_331 = vector.broadcast %broadcast_in_dim3A_328 : vector<1x128xf32> to vector<6x128xf32>
    %add3A_332 = arith.addf %add3A_330, %add3A_331 : vector<6x128xf32>
    %swap3A_333 = arith.constant 150 : index
    %swap3A_334 = arith.constant 0 : index
    %swap3A_335 = vector.load %arg6[%swap3A_333, %swap3A_334] : memref<216x128xf32, #tpu.memory_space<vmem>>, vector<6x128xf32>
    tpu.vector_store %arg6[%swap3A_333, %swap3A_334], %add3A_332 {strides = array<i32>} : memref<216x128xf32, #tpu.memory_space<vmem>>, vector<6x128xf32>,
    %get3A_336 = arith.constant 2 : index
    %get3A_337 = arith.constant 0 : index
    %get3A_338 = vector.load %arg4[%get3A_336, %get3A_337] : memref<6x128xf32, #tpu.memory_space<vmem>>, vector<1x128xf32>
    %get3A_339 = vector.shape_cast %get3A_338 : vector<1x128xf32> to vector<128xf32>
    %broadcast_in_dim3A_340 = vector.shape_cast %get3A_339 : vector<128xf32> to vector<1x128xf32>
    %add3A_341 = vector.broadcast %broadcast_in_dim3A_311 : vector<1x128xf32> to vector<6x128xf32>
    %add3A_342 = arith.addf %get3A_1, %add3A_341 : vector<6x128xf32>
    %add3A_343 = vector.broadcast %broadcast_in_dim3A_340 : vector<1x128xf32> to vector<6x128xf32>
    %add3A_344 = arith.addf %add3A_342, %add3A_343 : vector<6x128xf32>
    %swap3A_345 = arith.constant 156 : index
    %swap3A_346 = arith.constant 0 : index
    %swap3A_347 = vector.load %arg6[%swap3A_345, %swap3A_346] : memref<216x128xf32, #tpu.memory_space<vmem>>, vector<6x128xf32>
    tpu.vector_store %arg6[%swap3A_345, %swap3A_346], %add3A_344 {strides = array<i32>} : memref<216x128xf32, #tpu.memory_space<vmem>>, vector<6x128xf32>,
    %get3A_348 = arith.constant 3 : index
    %get3A_349 = arith.constant 0 : index
    %get3A_350 = vector.load %arg4[%get3A_348, %get3A_349] : memref<6x128xf32, #tpu.memory_space<vmem>>, vector<1x128xf32>
    %get3A_351 = vector.shape_cast %get3A_350 : vector<1x128xf32> to vector<128xf32>
    %broadcast_in_dim3A_352 = vector.shape_cast %get3A_351 : vector<128xf32> to vector<1x128xf32>
    %add3A_353 = vector.broadcast %broadcast_in_dim3A_311 : vector<1x128xf32> to vector<6x128xf32>
    %add3A_354 = arith.addf %get3A_1, %add3A_353 : vector<6x128xf32>
    %add3A_355 = vector.broadcast %broadcast_in_dim3A_352 : vector<1x128xf32> to vector<6x128xf32>
    %add3A_356 = arith.addf %add3A_354, %add3A_355 : vector<6x128xf32>
    %swap3A_357 = arith.constant 162 : index
    %swap3A_358 = arith.constant 0 : index
    %swap3A_359 = vector.load %arg6[%swap3A_357, %swap3A_358] : memref<216x128xf32, #tpu.memory_space<vmem>>, vector<6x128xf32>
    tpu.vector_store %arg6[%swap3A_357, %swap3A_358], %add3A_356 {strides = array<i32>} : memref<216x128xf32, #tpu.memory_space<vmem>>, vector<6x128xf32>,
    %get3A_360 = arith.constant 4 : index
    %get3A_361 = arith.constant 0 : index
    %get3A_362 = vector.load %arg4[%get3A_360, %get3A_361] : memref<6x128xf32, #tpu.memory_space<vmem>>, vector<1x128xf32>
    %get3A_363 = vector.shape_cast %get3A_362 : vector<1x128xf32> to vector<128xf32>
    %broadcast_in_dim3A_364 = vector.shape_cast %get3A_363 : vector<128xf32> to vector<1x128xf32>
    %add3A_365 = vector.broadcast %broadcast_in_dim3A_311 : vector<1x128xf32> to vector<6x128xf32>
    %add3A_366 = arith.addf %get3A_1, %add3A_365 : vector<6x128xf32>
    %add3A_367 = vector.broadcast %broadcast_in_dim3A_364 : vector<1x128xf32> to vector<6x128xf32>
    %add3A_368 = arith.addf %add3A_366, %add3A_367 : vector<6x128xf32>
    %swap3A_369 = arith.constant 168 : index
    %swap3A_370 = arith.constant 0 : index
    %swap3A_371 = vector.load %arg6[%swap3A_369, %swap3A_370] : memref<216x128xf32, #tpu.memory_space<vmem>>, vector<6x128xf32>
    tpu.vector_store %arg6[%swap3A_369, %swap3A_370], %add3A_368 {strides = array<i32>} : memref<216x128xf32, #tpu.memory_space<vmem>>, vector<6x128xf32>,
    %get3A_372 = arith.constant 5 : index
    %get3A_373 = arith.constant 0 : index
    %get3A_374 = vector.load %arg4[%get3A_372, %get3A_373] : memref<6x128xf32, #tpu.memory_space<vmem>>, vector<1x128xf32>
    %get3A_375 = vector.shape_cast %get3A_374 : vector<1x128xf32> to vector<128xf32>
    %broadcast_in_dim3A_376 = vector.shape_cast %get3A_375 : vector<128xf32> to vector<1x128xf32>
    %add3A_377 = vector.broadcast %broadcast_in_dim3A_311 : vector<1x128xf32> to vector<6x128xf32>
    %add3A_378 = arith.addf %get3A_1, %add3A_377 : vector<6x128xf32>
    %add3A_379 = vector.broadcast %broadcast_in_dim3A_376 : vector<1x128xf32> to vector<6x128xf32>
    %add3A_380 = arith.addf %add3A_378, %add3A_379 : vector<6x128xf32>
    %swap3A_381 = arith.constant 174 : index
    %swap3A_382 = arith.constant 0 : index
    %swap3A_383 = vector.load %arg6[%swap3A_381, %swap3A_382] : memref<216x128xf32, #tpu.memory_space<vmem>>, vector<6x128xf32>
    tpu.vector_store %arg6[%swap3A_381, %swap3A_382], %add3A_380 {strides = array<i32>} : memref<216x128xf32, #tpu.memory_space<vmem>>, vector<6x128xf32>,
    %get3A_384 = arith.constant 5 : index
    %get3A_385 = arith.constant 0 : index
    %get3A_386 = vector.load %arg3[%get3A_384, %get3A_385] : memref<6x128xf32, #tpu.memory_space<vmem>>, vector<1x128xf32>
    %get3A_387 = vector.shape_cast %get3A_386 : vector<1x128xf32> to vector<128xf32>
    %broadcast_in_dim3A_388 = vector.shape_cast %get3A_387 : vector<128xf32> to vector<1x128xf32>
    %get3A_389 = arith.constant 0 : index
    %get3A_390 = arith.constant 0 : index
    %get3A_391 = vector.load %arg4[%get3A_389, %get3A_390] : memref<6x128xf32, #tpu.memory_space<vmem>>, vector<1x128xf32>
    %get3A_392 = vector.shape_cast %get3A_391 : vector<1x128xf32> to vector<128xf32>
    %broadcast_in_dim3A_393 = vector.shape_cast %get3A_392 : vector<128xf32> to vector<1x128xf32>
    %add3A_394 = vector.broadcast %broadcast_in_dim3A_388 : vector<1x128xf32> to vector<6x128xf32>
    %add3A_395 = arith.addf %get3A_1, %add3A_394 : vector<6x128xf32>
    %add3A_396 = vector.broadcast %broadcast_in_dim3A_393 : vector<1x128xf32> to vector<6x128xf32>
    %add3A_397 = arith.addf %add3A_395, %add3A_396 : vector<6x128xf32>
    %swap3A_398 = arith.constant 180 : index
    %swap3A_399 = arith.constant 0 : index
    %swap3A_400 = vector.load %arg6[%swap3A_398, %swap3A_399] : memref<216x128xf32, #tpu.memory_space<vmem>>, vector<6x128xf32>
    tpu.vector_store %arg6[%swap3A_398, %swap3A_399], %add3A_397 {strides = array<i32>} : memref<216x128xf32, #tpu.memory_space<vmem>>, vector<6x128xf32>,
    %get3A_401 = arith.constant 1 : index
    %get3A_402 = arith.constant 0 : index
    %get3A_403 = vector.load %arg4[%get3A_401, %get3A_402] : memref<6x128xf32, #tpu.memory_space<vmem>>, vector<1x128xf32>
    %get3A_404 = vector.shape_cast %get3A_403 : vector<1x128xf32> to vector<128xf32>
    %broadcast_in_dim3A_405 = vector.shape_cast %get3A_404 : vector<128xf32> to vector<1x128xf32>
    %add3A_406 = vector.broadcast %broadcast_in_dim3A_388 : vector<1x128xf32> to vector<6x128xf32>
    %add3A_407 = arith.addf %get3A_1, %add3A_406 : vector<6x128xf32>
    %add3A_408 = vector.broadcast %broadcast_in_dim3A_405 : vector<1x128xf32> to vector<6x128xf32>
    %add3A_409 = arith.addf %add3A_407, %add3A_408 : vector<6x128xf32>
    %swap3A_410 = arith.constant 186 : index
    %swap3A_411 = arith.constant 0 : index
    %swap3A_412 = vector.load %arg6[%swap3A_410, %swap3A_411] : memref<216x128xf32, #tpu.memory_space<vmem>>, vector<6x128xf32>
    tpu.vector_store %arg6[%swap3A_410, %swap3A_411], %add3A_409 {strides = array<i32>} : memref<216x128xf32, #tpu.memory_space<vmem>>, vector<6x128xf32>,
    %get3A_413 = arith.constant 2 : index
    %get3A_414 = arith.constant 0 : index
    %get3A_415 = vector.load %arg4[%get3A_413, %get3A_414] : memref<6x128xf32, #tpu.memory_space<vmem>>, vector<1x128xf32>
    %get3A_416 = vector.shape_cast %get3A_415 : vector<1x128xf32> to vector<128xf32>
    %broadcast_in_dim3A_417 = vector.shape_cast %get3A_416 : vector<128xf32> to vector<1x128xf32>
    %add3A_418 = vector.broadcast %broadcast_in_dim3A_388 : vector<1x128xf32> to vector<6x128xf32>
    %add3A_419 = arith.addf %get3A_1, %add3A_418 : vector<6x128xf32>
    %add3A_420 = vector.broadcast %broadcast_in_dim3A_417 : vector<1x128xf32> to vector<6x128xf32>
    %add3A_421 = arith.addf %add3A_419, %add3A_420 : vector<6x128xf32>
    %swap3A_422 = arith.constant 192 : index
    %swap3A_423 = arith.constant 0 : index
    %swap3A_424 = vector.load %arg6[%swap3A_422, %swap3A_423] : memref<216x128xf32, #tpu.memory_space<vmem>>, vector<6x128xf32>
    tpu.vector_store %arg6[%swap3A_422, %swap3A_423], %add3A_421 {strides = array<i32>} : memref<216x128xf32, #tpu.memory_space<vmem>>, vector<6x128xf32>,
    %get3A_425 = arith.constant 3 : index
    %get3A_426 = arith.constant 0 : index
    %get3A_427 = vector.load %arg4[%get3A_425, %get3A_426] : memref<6x128xf32, #tpu.memory_space<vmem>>, vector<1x128xf32>
    %get3A_428 = vector.shape_cast %get3A_427 : vector<1x128xf32> to vector<128xf32>
    %broadcast_in_dim3A_429 = vector.shape_cast %get3A_428 : vector<128xf32> to vector<1x128xf32>
    %add3A_430 = vector.broadcast %broadcast_in_dim3A_388 : vector<1x128xf32> to vector<6x128xf32>
    %add3A_431 = arith.addf %get3A_1, %add3A_430 : vector<6x128xf32>
    %add3A_432 = vector.broadcast %broadcast_in_dim3A_429 : vector<1x128xf32> to vector<6x128xf32>
    %add3A_433 = arith.addf %add3A_431, %add3A_432 : vector<6x128xf32>
    %swap3A_434 = arith.constant 198 : index
    %swap3A_435 = arith.constant 0 : index
    %swap3A_436 = vector.load %arg6[%swap3A_434, %swap3A_435] : memref<216x128xf32, #tpu.memory_space<vmem>>, vector<6x128xf32>
    tpu.vector_store %arg6[%swap3A_434, %swap3A_435], %add3A_433 {strides = array<i32>} : memref<216x128xf32, #tpu.memory_space<vmem>>, vector<6x128xf32>,
    %get3A_437 = arith.constant 4 : index
    %get3A_438 = arith.constant 0 : index
    %get3A_439 = vector.load %arg4[%get3A_437, %get3A_438] : memref<6x128xf32, #tpu.memory_space<vmem>>, vector<1x128xf32>
    %get3A_440 = vector.shape_cast %get3A_439 : vector<1x128xf32> to vector<128xf32>
    %broadcast_in_dim3A_441 = vector.shape_cast %get3A_440 : vector<128xf32> to vector<1x128xf32>
    %add3A_442 = vector.broadcast %broadcast_in_dim3A_388 : vector<1x128xf32> to vector<6x128xf32>
    %add3A_443 = arith.addf %get3A_1, %add3A_442 : vector<6x128xf32>
    %add3A_444 = vector.broadcast %broadcast_in_dim3A_441 : vector<1x128xf32> to vector<6x128xf32>
    %add3A_445 = arith.addf %add3A_443, %add3A_444 : vector<6x128xf32>
    %swap3A_446 = arith.constant 204 : index
    %swap3A_447 = arith.constant 0 : index
    %swap3A_448 = vector.load %arg6[%swap3A_446, %swap3A_447] : memref<216x128xf32, #tpu.memory_space<vmem>>, vector<6x128xf32>
    tpu.vector_store %arg6[%swap3A_446, %swap3A_447], %add3A_445 {strides = array<i32>} : memref<216x128xf32, #tpu.memory_space<vmem>>, vector<6x128xf32>,
    %get3A_449 = arith.constant 5 : index
    %get3A_450 = arith.constant 0 : index
    %get3A_451 = vector.load %arg4[%get3A_449, %get3A_450] : memref<6x128xf32, #tpu.memory_space<vmem>>, vector<1x128xf32>
    %get3A_452 = vector.shape_cast %get3A_451 : vector<1x128xf32> to vector<128xf32>
    %broadcast_in_dim3A_453 = vector.shape_cast %get3A_452 : vector<128xf32> to vector<1x128xf32>
    %add3A_454 = vector.broadcast %broadcast_in_dim3A_388 : vector<1x128xf32> to vector<6x128xf32>
    %add3A_455 = arith.addf %get3A_1, %add3A_454 : vector<6x128xf32>
    %add3A_456 = vector.broadcast %broadcast_in_dim3A_453 : vector<1x128xf32> to vector<6x128xf32>
    %add3A_457 = arith.addf %add3A_455, %add3A_456 : vector<6x128xf32>
    %swap3A_458 = arith.constant 210 : index
    %swap3A_459 = arith.constant 0 : index
    %swap3A_460 = vector.load %arg6[%swap3A_458, %swap3A_459] : memref<216x128xf32, #tpu.memory_space<vmem>>, vector<6x128xf32>
    tpu.vector_store %arg6[%swap3A_458, %swap3A_459], %add3A_457 {strides = array<i32>} : memref<216x128xf32, #tpu.memory_space<vmem>>, vector<6x128xf32>,
    %get3A_461 = arith.constant 0 : index
    %get3A_462 = arith.constant 0 : index
    %get3A_463 = vector.load %arg0[%get3A_461, %get3A_462] : memref<2500x128xi32, #tpu.memory_space<vmem>>, vector<2500x128xi32>
    %mul3A = arith.constant 6 : i32
    %mul3A_464 = vector.broadcast %mul3A : i32 to vector<2500x128xi32>
    %mul3A_465 = arith.muli %get3A_463, %mul3A_464 : vector<2500x128xi32>
    %get3A_466 = arith.constant 0 : index
    %get3A_467 = arith.constant 0 : index
    %get3A_468 = vector.load %arg1[%get3A_466, %get3A_467] : memref<2500x128xi32, #tpu.memory_space<vmem>>, vector<2500x128xi32>
    %add3A_469 = arith.addi %mul3A_465, %get3A_468 : vector<2500x128xi32>
    %mul3A_470 = arith.constant 6 : i32
    %mul3A_471 = vector.broadcast %mul3A_470 : i32 to vector<2500x128xi32>
    %mul3A_472 = arith.muli %add3A_469, %mul3A_471 : vector<2500x128xi32>
    %get3A_473 = arith.constant 0 : index
    %get3A_474 = arith.constant 0 : index
    %get3A_475 = vector.load %arg2[%get3A_473, %get3A_474] : memref<2500x128xi32, #tpu.memory_space<vmem>>, vector<2500x128xi32>
    %add3A_476 = arith.addi %mul3A_472, %get3A_475 : vector<2500x128xi32>
    %swap3A_477 = arith.constant 0 : index
    %swap3A_478 = arith.constant 0 : index
    %swap3A_479 = vector.load %arg7[%swap3A_477, %swap3A_478] : memref<2500x128xi32, #tpu.memory_space<vmem>>, vector<2500x128xi32>
    tpu.vector_store %arg7[%swap3A_477, %swap3A_478], %add3A_476 {strides = array<i32>} : memref<2500x128xi32, #tpu.memory_space<vmem>>, vector<2500x128xi32>,
    return
  }
}

</mosaic_0001>

<sc_bundles>
// kernel: kernel.4.cloned.1.call-start
scs
__scs_entry_jumppad:
0x0: {  	(pc) =	sbr.rel $0x88, $3  }
0x1: {  	(tag) =	ssettag $0x0;
	lr =	simm.s32 $0x1  }
0x2: {  	[smem:$0x3F9D] =	sst lr;
	_ =	strace $0xD0000000  }
0x3: {  	_ = 	snop  }
0x4: {  	_ = 	snop  }
0x5: {  	_ = 	snop  }
0x6: {  	_ = 	snop  }
0x7: {  	_ = 	snop  }
__scs_overlays_trampoline_lowered:
0x8: {  	[smem:$0x3FAC] =	sst s0  }
0x9: {  	[smem:$0x3FAD] =	sst s1  }
0xa: {  	[smem:$0x3FAE] =	sst s2  }
0xb: {  	[smem:$0x3FAF] =	sst s3  }
0xc: {  	[smem:$0x3FB0] =	sst s4  }
0xd: {  	[smem:$0x3FB1] =	sst s5  }
0xe: {  	[smem:$0x3FB2] =	sst s6  }
0xf: {  	[smem:$0x3FB3] =	sst s7  }
0x10: {  	[smem:$0x3FB4] =	sst s8  }
0x11: {  	[smem:$0x3FB5] =	sst s9;
	s0 =	simm.s32 @!p0 $0x0  }
0x12: {  	s1 =	sld [smem:$0x3F9B];
	s0 =	simm.s32 @p0 $0x1  }
0x13: {  	[smem:$0x3FB6] =	sst s0;
	s0 =	simm.s32 @!p1 $0x0  }
0x14: {  	s2 =	sld [smem:$0x3F9A];
	s0 =	simm.s32 @p1 $0x1  }
0x15: {  	[smem:$0x3FB7] =	sst s0;
	s0 =	simm.s32 @!p2 $0x0  }
0x16: {  	s3 =	sld [smem:$0x3FDB];
	s0 =	simm.s32 @p2 $0x1  }
0x17: {  	s4 =	simm.s32 $0x1BF5;
	[smem:$0x3FB9] =	sst s0  }
0x18: {  	s0 =	sld [smem:$0x3F9C];
	_ =	swait.ge [sflag:s4], $0x0  }
0x19: {  	s7 =	sld [smem:$0x3F9D]  }
0x1a: {  	s8 =	sadd.s32 $0xFFFFE003, lr  }
0x1b: {  	s9 =	sadd.s32 $0xFFFFFEF7, lr;
	s5 =	simm.s32 $0xFFFFFFFF;
	p2 =	slt.u32 s8, $0xFFFFF086  }
0x1c: {  	p1 =	slt.u32 s9, $0xF7A;
	s5 =	simm.s32 @!p2 $0x0  }
0x1d: {  	s5 =	simm.s32 @p1 $0x1;
	p0 =	seq.s32 s7, s2  }
0x1e: {  	s7 =	smul.u32 @!p0 $0xF7A, s2;
	p2 =	seq.s32 @!p0 s5, $0x0  }
0x1f: {  	s9 =	smul.u32 $0xF7A, s1;
	s8 =	simm.s32 @!p0 $0x1BF5;
	p2 =	por !p2, p0  }
0x20: {  	[sflag:s8] =	ssyncset.s32 @!p0 $0xFFFFF086;
	s6 =	sadd.s32 @!p0 s3, s7;
	s7 =	simm.s32 @!p0 $0x108  }
0x21: {  	s3 =	sadd.s32 s3, s9;
	s6 =	sadd.s32 @!p0 $0x88, s6;
	s7 =	simm.s32 @p2 $0x1082  }
0x22: {  	[simem:s7], [sflag:s8] =	dma.local @!p0 [hbm:s6], $0xF7A  }
0x23: {  	s9 =	sor.u32 $0xD0000000, s2;
	s6 =	simm.s32 $0x108;
	_ =	swait.ge @!p0 [sflag:s8], $0x0  }
0x24: {  	s3 =	sadd.s32 $0x88, s3;
	s6 =	simm.s32 @!p1 $0x1082;
	[sflag:s4] =	ssyncset.s32 $0xFFFFF086  }
0x25: {  	[simem:s6], [sflag:s4] =	dma.local [hbm:s3], $0xF7A  }
0x26: {  	[smem:$0x3F9D] =	sst s1;
	(tag) =	ssettag s2;
	_ =	strace s9  }
0x27: {  	s1 =	sld [smem:$0x3FAD]  }
0x28: {  	s2 =	sld [smem:$0x3FAE]  }
0x29: {  	s4 =	sld [smem:$0x3FB0]  }
0x2a: {  	p0 =	seq.s32 s5, $0x0;
	s5 =	sld [smem:$0x3FB1]  }
0x2b: {  	s6 =	sld [smem:$0x3FB2]  }
0x2c: {  	s7 =	sld [smem:$0x3FB3]  }
0x2d: {  	s3 =	simm.s32 $0x108;
	s8 =	sld [smem:$0x3FB4]  }
0x2e: {  	s3 =	simm.s32 @!p0 $0x1082;
	s9 =	sld [smem:$0x3FB5]  }
0x2f: {  	lr =	sadd.s32 s0, s3;
	s0 =	sld [smem:$0x3FAC]  }
0x30: {  	s3 =	sld [smem:$0x3FAF]  }
0x31: {  	[smem:$0x3FB8] =	sst s10  }
0x32: {  	s10 =	sld [smem:$0x3FB6];
	_ =	sdelay $0x3  }
0x33: {  	p0 =	seq.s32 s10, $0x1;
	s10 =	sld [smem:$0x3FB8];
	_ =	sdelay $0x3  }
0x34: {  	[smem:$0x3FB8] =	sst s10  }
0x35: {  	s10 =	sld [smem:$0x3FB7];
	_ =	sdelay $0x3  }
0x36: {  	p1 =	seq.s32 s10, $0x1;
	s10 =	sld [smem:$0x3FB8];
	_ =	sdelay $0x3  }
0x37: {  	[smem:$0x3FB8] =	sst s10  }
0x38: {  	s10 =	sld [smem:$0x3FB9]  }
0x39: {  	_ = 	snop;
	(pc) =	sbr.ind lr, $3  }
0x3a: {  	_ = 	snop  }
0x3b: {  	_ = 	snop  }
0x3c: {  	p2 =	seq.s32 s10, $0x1;
	s10 =	sld [smem:$0x3FB8]  }
0x3d: {  	_ =	shalt  }
0x3e: {  	_ =	shalt  }
0x3f: {  	_ =	shalt  }
0x40: {  	_ =	shalt  }
0x41: {  	_ =	shalt  }
0x42: {  	_ =	shalt  }
0x43: {  	_ =	shalt  }
0x44: {  	_ =	shalt  }
0x45: {  	_ =	shalt  }
0x46: {  	_ =	shalt  }
0x47: {  	_ =	shalt  }
0x48: {  	_ =	shalt  }
0x49: {  	_ =	shalt  }
0x4a: {  	_ =	shalt  }
0x4b: {  	_ =	shalt  }
0x4c: {  	_ =	shalt  }
0x4d: {  	_ =	shalt  }
0x4e: {  	_ =	shalt  }
0x4f: {  	_ =	shalt  }
0x50: {  	_ =	shalt  }
0x51: {  	_ =	shalt  }
0x52: {  	_ =	shalt  }
0x53: {  	_ =	shalt  }
0x54: {  	_ =	shalt  }
0x55: {  	_ =	shalt  }
0x56: {  	_ =	shalt  }
0x57: {  	_ =	shalt  }
0x58: {  	_ =	shalt  }
0x59: {  	_ =	shalt  }
0x5a: {  	_ =	shalt  }
0x5b: {  	_ =	shalt  }
0x5c: {  	_ =	shalt  }
0x5d: {  	_ =	shalt  }
0x5e: {  	_ =	shalt  }
0x5f: {  	_ =	shalt  }
0x60: {  	_ =	shalt  }
0x61: {  	_ =	shalt  }
0x62: {  	_ =	shalt  }
0x63: {  	_ =	shalt  }
0x64: {  	_ =	shalt  }
0x65: {  	_ =	shalt  }
0x66: {  	_ =	shalt  }
0x67: {  	_ =	shalt  }
0x68: {  	_ =	shalt  }
0x69: {  	_ =	shalt  }
0x6a: {  	_ =	shalt  }
0x6b: {  	_ =	shalt  }
0x6c: {  	_ =	shalt  }
0x6d: {  	_ =	shalt  }
0x6e: {  	_ =	shalt  }
0x6f: {  	_ =	shalt  }
0x70: {  	_ =	shalt  }
0x71: {  	_ =	shalt  }
0x72: {  	_ =	shalt  }
0x73: {  	_ =	shalt  }
0x74: {  	_ =	shalt  }
0x75: {  	_ =	shalt  }
0x76: {  	_ =	shalt  }
0x77: {  	_ =	shalt  }
0x78: {  	_ =	shalt  }
0x79: {  	_ =	shalt  }
0x7a: {  	_ =	shalt  }
0x7b: {  	_ =	shalt  }
0x7c: {  	_ =	shalt  }
0x7d: {  	_ =	shalt  }
0x7e: {  	_ =	shalt  }
0x7f: {  	_ =	shalt  }
0x80: {  	_ =	shalt  }
0x81: {  	_ =	shalt  }
0x82: {  	_ =	shalt  }
0x83: {  	_ =	shalt  }
0x84: {  	_ =	shalt  }
0x85: {  	_ =	shalt  }
0x86: {  	_ =	shalt  }
0x87: {  	_ =	shalt  }
.Lfunc_end0:
.L_simem_size_0:
called_computation_lowered:
.L_overlay_start_0:
0x88: {  	s2 =	sld [smem:$0x3FD9]  }
0x89: {  	s3 =	sld [smem:$0x3FFE];
	_ =	sdelay $0x1  }
0x8a: {  	s1 =	srdreg.scid  }
0x8b: {  	s0 =	sand.u32 $0x1, s1  }
0x8c: {  	s17 =	sshll.u32 s0, $0xA;
	s2 =	sadd.s32 s3, s2  }
0x8d: {  	s2 =	sadd.s32 s2, s17  }
0x8e: {  	[smem:$0x3FC4] =	sst s2  }
0x8f: {  	_ = 	snop  }
0x90: {  	s2 =	sld [smem:$0x3FD0];
	(tm) =	ssettm $0x1  }
0x91: {  	s18 =	sld [smem:$0x3FFB];
	_ =	sdelay $0x3  }
0x92: {  	_ =	strace s18  }
0x93: {  	s3 =	sld [smem:$0x3FFC];
	_ =	sdelay $0x3  }
0x94: {  	_ =	strace s3  }
0x95: {  	s3 =	sld [smem:$0x3FFD];
	_ =	sdelay $0x3  }
0x96: {  	_ =	strace s3  }
0x97: {  	_ =	strace $0x8FFFFFFF  }
0x98: {  	s19 =	sld [smem:$0x3FDB];
	_ =	sdelay $0x1  }
0x99: {  	s4 =	simm.s32 $_scs_section_size  }
0x9a: {  	s5 =	simm.s32 $_size__tile_overlayer_lowered;
	s6 =	simm.s32 $_tile_overlayer_lowered  }
0x9b: {  	s22 =	simm.s32 $0x1BFF;
	s21 =	sshll.u32 s6, $0x1;
	s3 =	sadd.s32 s4, s19  }
0x9c: {  	s7 =	simm.s32 $0x0;
	s20 =	sshll.u32 s5, $0x1;
	s5 =	sadd.s32 s21, s3  }
0x9d: {  	[timem:s7], [sflag:s22] =	dma.local [hbm:s5], s20  }
0x9e: {  	_ =	swait.ge [sflag:s22], s20  }
0x9f: {  	s4 =	ssub.s32 $0x0, s20;
	[sflag:s22] =	ssyncset.done $0x0  }
0xa0: {  	[sflag:s22] =	ssyncadd.s32 s4;
	_ =	sdelay $0x1  }
0xa1: {  	s23 =	simm.s32 $0x1B8B  }
0xa2: {  	_ =	swait.ge [sflag:s23], $0x1  }
0xa3: {  	[sflag:s23] =	ssyncset.done $0x0  }
0xa4: {  	s25 =	simm.s32 $0x1B8E;
	s24 =	sld [smem:$0x3FFE];
	[sflag:s23] =	ssyncadd.s32 $0xFFFFFFFF  }
0xa5: {  	s26 =	simm.s32 $execute0_lowered;
	[smem:$0x3FD2] =	sst s25  }
0xa6: {  	s5 =	sshll.u32 s26, $0x1;
	_ =	strace $0x80000046;
	[dreg:$0x1] =	wrdreg $0xFFFFFFFF  }
0xa7: {  	s28 =	simm.s32 $_size_execute0_lowered;
	s3 =	sadd.s32 s3, s5;
	[dreg:$0x0] =	wrdreg $0x0  }
0xa8: {  	s5 =	sshll.u32 s28, $0x1;
	[dreg:$0x2] =	wrdreg s3  }
0xa9: {  	[dreg:$0x3] =	wrdreg s5  }
0xaa: {  	[dreg:$0x4] =	wrdreg $0xC0  }
0xab: {  	_ =	task [dreg:s7], $0x5FFFF  }
0xac: {  	[dreg:$0x1] =	wrdreg $0xFFFFFFFF  }
0xad: {  	[dreg:$0x0] =	wrdreg $0x60  }
0xae: {  	[dreg:$0x2] =	wrdreg s24  }
0xaf: {  	[dreg:$0x3] =	wrdreg s2  }
0xb0: {  	[dreg:$0x4] =	wrdreg $0x0  }
0xb1: {  	[dreg:$0x5] =	wrdreg $0x9  }
0xb2: {  	_ =	task.clear_ibuf [dreg:s7], $0x6FFFF;
	_ =	strace $0x90000046  }
0xb3: {  	s29 =	simm.s32 $0x9;
	_ =	strace $0x80000048  }
0xb4: {  	_ =	swait.ge [sflag:s29], $0x1  }
0xb5: {  	[sflag:s29] =	ssyncadd.s32 $0xFFFFFFFF  }
0xb6: {  	_ =	strace $0x90000048  }
0xb7: {  	_ =	sfence  }
0xb8: {  	s30 =	sld [smem:$0x0];
	_ =	sdelay $0x2  }
0xb9: {  	s31 =	sshll.u32 s1, $0xD;
	s1 =	sshrl.u32 s1, $0x2  }
0xba: {  	s3 =	sand.u32 $0x4000, s31;
	s1 =	sadd.s32 s1, s30  }
0xbb: {  	s0 =	sor.u32 s3, s0;
	s1 =	sshll.u32 s1, $0x11  }
0xbc: {  	s0 =	sor.u32 s1, s0  }
0xbd: {  	s0 =	sadd.s32 $0x8F2B, s0  }
0xbe: {  	[sflag:s0] =	ssyncadd.remote.s32 $0x1  }
0xbf: {  	_ =	sfence.sel $0xFFFF  }
0xc0: {  	[dreg:$0x0] =	wrdreg $0xFFFFFFFF;
	(pc) =	sbr.abs _section_cstart, $3  }
0xc1: {  	[dreg:$0x1] =	wrdreg $0xFFFFFFFF  }
0xc2: {  	_ =	task.clear_ibuf [dreg:s7], $0x2FFFF;
	_ =	strace $0x9FFFFFFF  }
0xc3: {  	(tm) =	ssettm $0x7FFFFFFF  }
tec
execute0_lowered:
.L_overlay_start_1:
0x0: {  	(tag) =	ssettag $0x1  }
0x1: {  	s1 =	rddreg [dreg:$0x0]  }
0x2: {  	s0 =	rddreg [dreg:$0x1]  }
0x3: {  	s3 =	srdreg.scid;
	s4 =	stileid.u32  }
0x4: {  	s2 =	rddreg [dreg:$0x2];
	s28 =	simm.s32 $0xAE40;
	s29 =	simm.s32 $0x1  }
0x5: {  	s31 =	simm.s32 $0xEE40;
	s30 =	simm.s32 $0x3;
	s5 =	sand.u32 $0x1, s3  }
0x6: {  	s6 =	sshll.u32 s4, $0x1;
	s3 =	simm.s32 $0x0;
	s16 =	smul.u32 $0x4E000, s4  }
0x7: {  	s10 =	sadd.s32 $0xA000, s1;
	s1 =	sadd.s32 $0x200, s1;
	s19 =	smul.u32 $0x270000, s4  }
0x8: {  	p0 =	sne.s32 s4, $0x0;
	p1 =	sgt.u32 s4, $0x1;
	s7 =	sor.u32 s5, s6  }
0x9: {  	s4 =	simm.s32 $0x4;
	[smem:$0x7FF] =	sst s3;
	s6 =	smul.u32 $0x4E0, s7  }
0xa: {  	s8 =	ssub.s32 $0x2, s5;
	_ =	strace $0x80000047;
	s9 =	smul.u32 $0x138000, s7  }
0xb: {  	s12 =	sshrl.u32 s8, $0x1;
	s14 =	sshll.u32 s7, $0x7;
	s7 =	smul.u32 $0x27000, s7  }
0xc: {  	[dreg:$0x4] =	wrdreg s10;
	s8 =	ssub.s32 s8, s12;
	s12 =	smul.u32 $0x27000, s5  }
0xd: {  	s22 =	sadd.s32 s16, s0;
	s5 =	smul.u32 $0x138000, s5;
	s6 =	sadd.s32 s1, s6  }
0xe: {  	s13 =	sshrl.u32 s9, $0x3;
	s9 =	sor.u32 $0x4E000, s14;
	s20 =	sadd.s32 s7, s0  }
0xf: {  	s21 =	smax.u32 s8, $0x1;
	s7 =	simm.s32 $0x8;
	s8 =	simm.s32 $0x0  }
0x10: {  	[dreg:$0x5] =	wrdreg s6;
	s6 =	sadd.s32 s0, s13;
	s17 =	sshrl.u32 s9, $0x3  }
0x11: {  	s18 =	sshll.u32 s9, $0x4;
	[dreg:$0xa] =	wrdreg s21;
	s15 =	sadd.s32 $0x26000, s6  }
0x12: {  	s5 =	sadd.s32 s5, s19;
	s11 =	sadd.s32 $0x26800, s6;
	[dreg:$0x6] =	wrdreg s15  }
0x13: {  	s21 =	simm.s32 $0x9;
	s1 =	sadd.s32 s1, s17;
	[dreg:$0x7] =	wrdreg s11  }
0x14: {  	s23 =	sadd.s32 $0x1000, s6;
	s24 =	sadd.s32 $0x1800, s6;
	[dreg:$0x8] =	wrdreg s1  }
0x15: {  	s25 =	sadd.s32 $0x1C000, s5;
	s16 =	sadd.s32 $0x10000, s5;
	[dreg:$0xc] =	wrdreg s23  }
0x16: {  	s5 =	sadd.s32 $0x18000, s5;
	s1 =	sadd.s32 s0, s18;
	[dreg:$0xd] =	wrdreg s24  }
0x17: {  	s26 =	sshrl.u32 s5, $0x3;
	s23 =	simm.s32 $0x2E40;
	s24 =	simm.s32 $0x5  }
0x18: {  	s5 =	simm.s32 $0x7;
	[dreg:$0x9] =	wrdreg s1;
	s1 =	sadd.s32 $0x800, s20  }
0x19: {  	s18 =	sadd.s32 s26, s0;
	[dreg:$0xb] =	wrdreg s1;
	s1 =	sadd.s32 s12, s22  }
0x1a: {  	s26 =	simm.s32 $0x6;
	s15 =	sadd.s32 $0x2800, s1;
	s1 =	sshrl.u32 s25, $0x3  }
0x1b: {  	s22 =	simm.s32 $0x80;
	s14 =	sadd.s32 s1, s0;
	s1 =	sshrl.u32 @!p0 s2, $0x3  }
0x1c: {  	s25 =	simm.s32 $0x6E40;
	[dreg:$0xe] =	wrdreg s1;
	s1 =	simm.s32 $0x2  }
.LBB2_1:
0x1d: {  	s10 =	rddreg [dreg:$0x4]  }
0x1e: {  	s9 =	simm.s32 @!p0 $0x1C09;
	s11 =	rddreg [dreg:$0xe]  }
0x1f: {  	[spmem:s11], [sflag:s9] =	dma.local @!p0 [hbm:s10], $0xD80  }
0x20: {  	s9 =	simm.s32 @!p0 $0x9  }
0x21: {  	_ =	swait.ge @!p0 [sflag:s9], $0xD80  }
0x22: {  	[sflag:s9] =	ssyncset.done @!p0 $0x0  }
0x23: {  	s20 =	simm.s32 $0x6C0;
	s19 =	rddreg [dreg:$0x5];
	[sflag:s9] =	ssyncadd.s32 @!p0 $0xFFFFF280  }
0x24: {  	[tilespmem:s20], [sflag:$0x9] =	stream.linear.gather [hbm4b:s19+s3], $0x2700, $0x38;
	[tilespmem:$0x12E40] =	vst v63  }
0x25: {  	_ =	swait.ge [sflag:s21], $0x2700  }
0x26: {  	[sflag:s21] =	ssyncset.done $0x0  }
0x27: {  	[sflag:s21] =	ssyncadd.s32 $0xFFFFD900  }
0x28: {  	[bflag:$0x0] =	sbarrier.arrive $0xFFFF  }
0x29: {  	[tilespmem:s23], [sflag:$0x1] =	stream.indirect.gather [spmem:s2], $0x80, s20, s22, $0xb8;
	[tilespmem:$0x12E40] =	vst v63  }
0x2a: {  	s11 =	simm.s32 $0x740  }
0x2b: {  	[tilespmem:s25], [sflag:$0x2] =	stream.indirect.gather [spmem:s2], $0x80, s11, s22, $0xb8;
	[tilespmem:$0x12E40] =	vst v63  }
0x2c: {  	s12 =	simm.s32 $0x7C0  }
0x2d: {  	[tilespmem:s28], [sflag:$0x3] =	stream.indirect.gather [spmem:s2], $0x80, s12, s22, $0xb8;
	[tilespmem:$0x12E40] =	vst v63  }
0x2e: {  	_ =	swait.ge [sflag:s29], $0x4000  }
0x2f: {  	[sflag:s29] =	ssyncset.done $0x0  }
0x30: {  	[sflag:s29] =	ssyncadd.s32 $0xFFFFC000  }
0x31: {  	[hbm4b:s6+s3] =	stream.linear.scatter [tilespmem:s23], [sflag:$0x5], $0x4000, $0x38;
	[tilespmem:$0x12E40] =	vst v63  }
0x32: {  	s13 =	simm.s32 $0x840  }
0x33: {  	[tilespmem:s31], [sflag:$0x4] =	stream.indirect.gather [spmem:s2], $0x80, s13, s22, $0xb8;
	[tilespmem:$0x12E40] =	vst v63  }
0x34: {  	_ =	swait.ge [sflag:s1], $0x4000  }
0x35: {  	[sflag:s1] =	ssyncset.done $0x0  }
0x36: {  	s17 =	rddreg [dreg:$0xb];
	[sflag:s1] =	ssyncadd.s32 $0xFFFFC000  }
0x37: {  	[hbm4b:s17+s3] =	stream.linear.scatter [tilespmem:s25], [sflag:$0x6], $0x4000, $0x38;
	[tilespmem:$0x12E40] =	vst v63  }
0x38: {  	_ =	swait.ge [sflag:s24], $0x4000  }
0x39: {  	[sflag:s24] =	ssyncset.done $0x0  }
0x3a: {  	s19 =	simm.s32 $0x8C0;
	[sflag:s24] =	ssyncadd.s32 $0xFFFFC000  }
0x3b: {  	[tilespmem:s23], [sflag:$0x1] =	stream.indirect.gather [spmem:s2], $0x80, s19, s22, $0xb8;
	[tilespmem:$0x12E40] =	vst v63  }
0x3c: {  	_ =	swait.ge [sflag:s30], $0x4000  }
0x3d: {  	[sflag:s30] =	ssyncset.done $0x0  }
0x3e: {  	s20 =	rddreg [dreg:$0xc];
	[sflag:s30] =	ssyncadd.s32 $0xFFFFC000  }
0x3f: {  	[hbm4b:s20+s3] =	stream.linear.scatter [tilespmem:s28], [sflag:$0x7], $0x4000, $0x38;
	[tilespmem:$0x12E40] =	vst v63  }
0x40: {  	_ =	swait.ge [sflag:s26], $0x4000  }
0x41: {  	[sflag:s26] =	ssyncset.done $0x0  }
0x42: {  	s10 =	simm.s32 $0x940;
	[sflag:s26] =	ssyncadd.s32 $0xFFFFC000  }
0x43: {  	[tilespmem:s25], [sflag:$0x2] =	stream.indirect.gather [spmem:s2], $0x80, s10, s22, $0xb8;
	[tilespmem:$0x12E40] =	vst v63  }
0x44: {  	_ =	swait.ge [sflag:s4], $0x4000  }
0x45: {  	[sflag:s4] =	ssyncset.done $0x0  }
0x46: {  	s11 =	rddreg [dreg:$0xd];
	[sflag:s4] =	ssyncadd.s32 $0xFFFFC000  }
0x47: {  	[hbm4b:s11+s3] =	stream.linear.scatter [tilespmem:s31], [sflag:$0x8], $0x4000, $0x38;
	[tilespmem:$0x12E40] =	vst v63  }
0x48: {  	_ =	swait.ge [sflag:s5], $0x4000  }
0x49: {  	[sflag:s5] =	ssyncset.done $0x0  }
0x4a: {  	s12 =	simm.s32 $0x9C0;
	[sflag:s5] =	ssyncadd.s32 $0xFFFFC000  }
0x4b: {  	[tilespmem:s28], [sflag:$0x3] =	stream.indirect.gather [spmem:s2], $0x80, s12, s22, $0xb8;
	[tilespmem:$0x12E40] =	vst v63  }
0x4c: {  	_ =	swait.ge [sflag:s29], $0x4000  }
0x4d: {  	s13 =	sshrl.u32 s16, $0x3;
	[sflag:s29] =	ssyncset.done $0x0  }
0x4e: {  	s9 =	sadd.s32 s0, s13;
	[sflag:s29] =	ssyncadd.s32 $0xFFFFC000  }
0x4f: {  	[hbm4b:s9+s3] =	stream.linear.scatter [tilespmem:s23], [sflag:$0x5], $0x4000, $0x38;
	[tilespmem:$0x12E40] =	vst v63  }
0x50: {  	_ =	swait.ge [sflag:s7], $0x4000  }
0x51: {  	[sflag:s7] =	ssyncset.done $0x0  }
0x52: {  	s17 =	simm.s32 $0xA40;
	[sflag:s7] =	ssyncadd.s32 $0xFFFFC000  }
0x53: {  	[tilespmem:s31], [sflag:$0x4] =	stream.indirect.gather [spmem:s2], $0x80, s17, s22, $0xb8;
	[tilespmem:$0x12E40] =	vst v63  }
0x54: {  	_ =	swait.ge [sflag:s1], $0x4000  }
0x55: {  	[sflag:s1] =	ssyncset.done $0x0  }
0x56: {  	[sflag:s1] =	ssyncadd.s32 $0xFFFFC000  }
0x57: {  	[hbm4b:s15+s3] =	stream.linear.scatter [tilespmem:s25], [sflag:$0x6], $0x4000, $0x38;
	[tilespmem:$0x12E40] =	vst v63  }
0x58: {  	_ =	swait.ge [sflag:s24], $0x4000  }
0x59: {  	[sflag:s24] =	ssyncset.done $0x0  }
0x5a: {  	s19 =	simm.s32 $0xAC0;
	[sflag:s24] =	ssyncadd.s32 $0xFFFFC000  }
0x5b: {  	[tilespmem:s23], [sflag:$0x1] =	stream.indirect.gather [spmem:s2], $0x80, s19, s22, $0xb8;
	[tilespmem:$0x12E40] =	vst v63  }
0x5c: {  	_ =	swait.ge [sflag:s30], $0x4000  }
0x5d: {  	[sflag:s30] =	ssyncset.done $0x0  }
0x5e: {  	[sflag:s30] =	ssyncadd.s32 $0xFFFFC000  }
0x5f: {  	[hbm4b:s18+s3] =	stream.linear.scatter [tilespmem:s28], [sflag:$0x7], $0x4000, $0x38;
	[tilespmem:$0x12E40] =	vst v63  }
0x60: {  	_ =	swait.ge [sflag:s26], $0x4000  }
0x61: {  	[sflag:s26] =	ssyncset.done $0x0  }
0x62: {  	s20 =	simm.s32 $0xB40;
	[sflag:s26] =	ssyncadd.s32 $0xFFFFC000  }
0x63: {  	[tilespmem:s25], [sflag:$0x2] =	stream.indirect.gather [spmem:s2], $0x80, s20, s22, $0xb8;
	[tilespmem:$0x12E40] =	vst v63  }
0x64: {  	s13 =	sadd.s32 $0x10000, s16;
	s10 =	sadd.s32 $0x2000, s14;
	_ =	swait.ge [sflag:s4], $0x4000  }
0x65: {  	s11 =	sadd.s32 $0x2000, s18;
	s12 =	sadd.s32 $0x2000, s15;
	[sflag:s4] =	ssyncset.done $0x0  }
0x66: {  	s9 =	simm.s32 $0x800;
	s17 =	smov.u32 s14;
	[sflag:s4] =	ssyncadd.s32 $0xFFFFC000  }
.LBB2_2:
0x67: {  	[hbm4b:s17+s3] =	stream.linear.scatter [tilespmem:s31], [sflag:$0x8], $0x4000, $0x38;
	[tilespmem:$0x12E40] =	vst v63  }
0x68: {  	s20 =	smov.u32 s9;
	s17 =	smov.u32 s10  }
0x69: {  	p2 =	sne.s32 s9, $0x8800;
	s9 =	sadd.s32 $0x800, s9;
	_ =	swait.ge [sflag:s5], $0x4000  }
0x6a: {  	s20 =	sshra.s32 s20, $0x2;
	[sflag:s5] =	ssyncset.done $0x0  }
0x6b: {  	s19 =	sadd.s32 $0x9C0, s20;
	[sflag:s5] =	ssyncadd.s32 $0xFFFFC000  }
0x6c: {  	[tilespmem:s28], [sflag:$0x3] =	stream.indirect.gather [spmem:s2], $0x80, s19, s22, $0xb8;
	[tilespmem:$0x12E40] =	vst v63  }
0x6d: {  	_ =	swait.ge [sflag:s29], $0x4000  }
0x6e: {  	s19 =	sshrl.u32 s13, $0x3;
	[sflag:s29] =	ssyncset.done $0x0  }
0x6f: {  	s19 =	sadd.s32 s0, s19;
	[sflag:s29] =	ssyncadd.s32 $0xFFFFC000  }
0x70: {  	[hbm4b:s19+s3] =	stream.linear.scatter [tilespmem:s23], [sflag:$0x5], $0x4000, $0x38;
	[tilespmem:$0x12E40] =	vst v63  }
0x71: {  	_ =	swait.ge [sflag:s7], $0x4000  }
0x72: {  	[sflag:s7] =	ssyncset.done $0x0  }
0x73: {  	s19 =	sadd.s32 $0xA40, s20;
	[sflag:s7] =	ssyncadd.s32 $0xFFFFC000  }
0x74: {  	[tilespmem:s31], [sflag:$0x4] =	stream.indirect.gather [spmem:s2], $0x80, s19, s22, $0xb8;
	[tilespmem:$0x12E40] =	vst v63  }
0x75: {  	_ =	swait.ge [sflag:s1], $0x4000  }
0x76: {  	[sflag:s1] =	ssyncset.done $0x0  }
0x77: {  	[sflag:s1] =	ssyncadd.s32 $0xFFFFC000  }
0x78: {  	[hbm4b:s12+s3] =	stream.linear.scatter [tilespmem:s25], [sflag:$0x6], $0x4000, $0x38;
	[tilespmem:$0x12E40] =	vst v63  }
0x79: {  	_ =	swait.ge [sflag:s24], $0x4000  }
0x7a: {  	[sflag:s24] =	ssyncset.done $0x0  }
0x7b: {  	s19 =	sadd.s32 $0xAC0, s20;
	[sflag:s24] =	ssyncadd.s32 $0xFFFFC000  }
0x7c: {  	[tilespmem:s23], [sflag:$0x1] =	stream.indirect.gather [spmem:s2], $0x80, s19, s22, $0xb8;
	[tilespmem:$0x12E40] =	vst v63  }
0x7d: {  	_ =	swait.ge [sflag:s30], $0x4000  }
0x7e: {  	[sflag:s30] =	ssyncset.done $0x0  }
0x7f: {  	[sflag:s30] =	ssyncadd.s32 $0xFFFFC000  }
0x80: {  	[hbm4b:s11+s3] =	stream.linear.scatter [tilespmem:s28], [sflag:$0x7], $0x4000, $0x38;
	[tilespmem:$0x12E40] =	vst v63  }
0x81: {  	_ =	swait.ge [sflag:s26], $0x4000  }
0x82: {  	[sflag:s26] =	ssyncset.done $0x0  }
.Ltmp0:
0x83: {  	s19 =	sadd.s32 $0xB40, s20;
	[sflag:s26] =	ssyncadd.s32 $0xFFFFC000;
	(pc) =	sbr.rel @p2 .LBB2_2-.Ltmp0, $4  }
0x84: {  	[tilespmem:s25], [sflag:$0x2] =	stream.indirect.gather [spmem:s2], $0x80, s19, s22, $0xb8;
	[tilespmem:$0x12E40] =	vst v63  }
0x85: {  	_ =	swait.ge [sflag:s4], $0x4000  }
0x86: {  	s10 =	sadd.s32 $0x2000, s10;
	s11 =	sadd.s32 $0x2000, s11;
	[sflag:s4] =	ssyncset.done $0x0  }
0x87: {  	s13 =	sadd.s32 $0x10000, s13;
	s12 =	sadd.s32 $0x2000, s12;
	[sflag:s4] =	ssyncadd.s32 $0xFFFFC000  }
0x88: {  	[hbm4b:s17+s3] =	stream.linear.scatter [tilespmem:s31], [sflag:$0x8], $0x4000, $0x38;
	[tilespmem:$0x12E40] =	vst v63  }
0x89: {  	_ =	swait.ge [sflag:s5], $0x4000  }
0x8a: {  	[sflag:s5] =	ssyncset.done $0x0  }
0x8b: {  	[sflag:s5] =	ssyncadd.s32 $0xFFFFC000  }
0x8c: {  	_ =	swait.ge [sflag:s29], $0x4000  }
0x8d: {  	[sflag:s29] =	ssyncset.done $0x0  }
0x8e: {  	s9 =	rddreg [dreg:$0x6];
	[sflag:s29] =	ssyncadd.s32 $0xFFFFC000  }
0x8f: {  	[hbm4b:s9+s3] =	stream.linear.scatter [tilespmem:s23], [sflag:$0x5], $0x4000, $0x38;
	[tilespmem:$0x12E40] =	vst v63  }
0x90: {  	_ =	swait.ge [sflag:s7], $0x4000  }
0x91: {  	[sflag:s7] =	ssyncset.done $0x0  }
0x92: {  	[sflag:s7] =	ssyncadd.s32 $0xFFFFC000  }
0x93: {  	_ =	swait.ge [sflag:s1], $0x4000  }
0x94: {  	[sflag:s1] =	ssyncset.done $0x0  }
0x95: {  	s19 =	rddreg [dreg:$0x7];
	[sflag:s1] =	ssyncadd.s32 $0xFFFFC000  }
0x96: {  	[hbm4b:s19+s3] =	stream.linear.scatter [tilespmem:s25], [sflag:$0x6], $0x4000, $0x38;
	[tilespmem:$0x12E40] =	vst v63  }
0x97: {  	_ =	swait.ge [sflag:s24], $0x4000  }
0x98: {  	[sflag:s24] =	ssyncset.done $0x0  }
0x99: {  	[sflag:s24] =	ssyncadd.s32 $0xFFFFC000  }
0x9a: {  	_ =	swait.ge [sflag:s26], $0x4000  }
0x9b: {  	s10 =	simm.s32 @!p1 $0x2DC0;
	[sflag:s26] =	ssyncset.done $0x0  }
0x9c: {  	s9 =	simm.s32 @!p1 $0x0;
	s11 =	rddreg [dreg:$0x8];
	[sflag:s26] =	ssyncadd.s32 $0xFFFFC000  }
0x9d: {  	[tilespmem:s10], [sflag:$0x9] =	stream.linear.gather @!p1 [hbm4b:s11+s9], $0x80, $0x38;
	[tilespmem:$0x12E40] =	vst v63  }
0x9e: {  	s11 =	simm.s32 @!p1 $0x9  }
0x9f: {  	_ =	swait.ge @!p1 [sflag:s11], $0x80  }
0xa0: {  	[sflag:s11] =	ssyncset.done @!p1 $0x0  }
0xa1: {  	s12 =	simm.s32 @!p1 $0x80;
	s13 =	simm.s32 @!p1 $0x2E40;
	[sflag:s11] =	ssyncadd.s32 @!p1 $0xFFFFFF80  }
0xa2: {  	[tilespmem:s13], [sflag:$0x1] =	stream.indirect.gather @!p1 [spmem:s2], $0x80, s10, s12, $0xb8;
	[tilespmem:$0x12E40] =	vst v63  }
0xa3: {  	s10 =	simm.s32 @!p1 $0x1  }
0xa4: {  	_ =	swait.ge @!p1 [sflag:s10], $0x4000  }
0xa5: {  	[sflag:s10] =	ssyncset.done @!p1 $0x0  }
0xa6: {  	[sflag:s10] =	ssyncadd.s32 @!p1 $0xFFFFC000;
	s10 =	rddreg [dreg:$0x9]  }
0xa7: {  	[hbm4b:s10+s9] =	stream.linear.scatter @!p1 [tilespmem:s13], [sflag:$0x9], $0x4000, $0x38;
	[tilespmem:$0x12E40] =	vst v63  }
0xa8: {  	_ =	swait.ge @!p1 [sflag:s11], $0x4000  }
0xa9: {  	s8 =	sadd.s32 $0x1, s8;
	s20 =	rddreg [dreg:$0xa]  }
0xaa: {  	p2 =	sne.s32 s8, s20  }
.Ltmp1:
0xab: {  	_ = 	snop;
	(pc) =	sbr.rel @p2 .LBB2_1-.Ltmp1, $3  }
0xac: {  	_ =	sdelay $0x1  }
0xad: {  	[sflag:s11] =	ssyncset.done @!p1 $0x0  }
0xae: {  	[sflag:s11] =	ssyncadd.s32 @!p1 $0xFFFFC000  }
0xaf: {  	_ =	sfence.sel $0x180000  }
0xb0: {  	[bflag:$0x0] =	sbarrier.arrive $0xFFFF  }
0xb1: {  	_ =	strace $0x90000047  }
0xb2: {  	[bflag:$0x2] =	sbarrier.arrive $0xFFFF  }
0xb3: {  	s0 =	rddreg [dreg:$0x3]  }
0xb4: {  	s0 =	sadd.s32 @!p0 $0x100000, s0  }
0xb5: {  	[sflag:s0] =	ssyncadd.tile.s32 @!p0 $0x1;
	_ =	shalt  }
.Lfunc_end2:
_tile_overlayer_lowered:
.L_overlay_start_2:
0xb6: {  	(tag) =	ssettag $0x2  }
0xb7: {  	s0 =	rddreg [dreg:$0x0];
	s2 =	stileid.u32  }
0xb8: {  	s1 =	rddreg [dreg:$0x1];
	p0 =	sne.s32 s2, $0x0  }
0xb9: {  	s3 =	rddreg [dreg:$0x2];
	[bflag:$0x3] =	sbarrier.arrive $0xFFFF;
	s2 =	simm.s32 @!p0 $0x1C09  }
0xba: {  	[timem:s3], [sflag:s2] =	dma.local @!p0 [hbm:s0], s1  }
0xbb: {  	s0 =	simm.s32 @!p0 $0x9  }
0xbc: {  	_ =	swait.ge @!p0 [sflag:s0], s1  }
0xbd: {  	s1 =	ssub.s32 @!p0 $0x0, s1;
	[sflag:s0] =	ssyncset.done @!p0 $0x0  }
0xbe: {  	[sflag:s0] =	ssyncadd.s32 @!p0 s1  }
0xbf: {  	[bflag:$0x3] =	sbarrier.arrive $0xFFFF  }
0xc0: {  	_ =	shalt  }

</sc_bundles>
